<compile_context>
chip_gen: v7x
topology: tpu7x:2x2x1
jax: 0.10.2.dev20260603
libtpu: 0.0.44.dev20260713+nightly
codegen_flags: <defaults>
</compile_context>

<pallas_src>
import functools

import jax
import jax.numpy as jnp
from jax import lax
from jax.experimental import pallas as pl
from jax.experimental.pallas import tpu as pltpu
from jax.experimental.pallas import tpu_sc as plsc

V = 1_000_000
B = 128
VL = 1024
FAN = 8

_mesh = plsc.VectorSubcoreMesh(
    core_axis_name="c", subcore_axis_name="s", num_cores=1, num_subcores=1
)


@functools.partial(
    pl.kernel,
    out_type=jax.ShapeDtypeStruct((B,), jnp.float32),
    mesh=_mesh,
    scratch_types=[
        pltpu.VMEM((B,), jnp.int32),
        pltpu.VMEM((B,), jnp.float32),
        pltpu.SemaphoreType.DMA,
    ],
)
def _sc_gather(logits_hbm, value_hbm, out_g, idx_v, g_v, sem):
    sid = lax.axis_index("s")
    cid = lax.axis_index("c")

    @pl.when((sid == 0) & (cid == 0))
    def _():
        pltpu.sync_copy(value_hbm, idx_v)
        pltpu.async_copy(logits_hbm.at[idx_v], g_v, sem).wait()
        pltpu.sync_copy(g_v, out_g)


CNK = 122880
NCHK = 8
LAST_EXTRA = V - NCHK * CNK
NGC = CNK // (FAN * VL)


def _norm_body(x_hbm, o_ref, stash_ref, sems):
    copies = []
    for c in range(NCHK):
        ln = CNK + (LAST_EXTRA if c == NCHK - 1 else 0)
        cp = pltpu.make_async_copy(
            x_hbm.at[pl.ds(c * CNK, ln)],
            stash_ref.at[pl.ds(c * CNK, ln)],
            sems.at[c],
        )
        cp.start()
        copies.append(cp)

    minf = jnp.full((VL,), -jnp.inf, jnp.float32)
    zero = jnp.zeros((VL,), jnp.float32)
    ms, ss = [], []
    for c in range(NCHK):
        copies[c].wait()
        base0 = c * CNK

        def max_body(j, accs, base0=base0):
            base = base0 + j * (FAN * VL)
            return tuple(
                jnp.maximum(accs[k], stash_ref[pl.ds(base + k * VL, VL)])
                for k in range(FAN)
            )

        maccs = lax.fori_loop(0, NGC, max_body, (minf,) * FAN)
        m_c = functools.reduce(jnp.maximum, maccs)

        def sum_body(j, accs, base0=base0, m_c=m_c):
            base = base0 + j * (FAN * VL)
            return tuple(
                accs[k] + jnp.exp(stash_ref[pl.ds(base + k * VL, VL)] - m_c)
                for k in range(FAN)
            )

        saccs = lax.fori_loop(0, NGC, sum_body, (zero,) * FAN)
        ms.append(m_c)
        ss.append(functools.reduce(jnp.add, saccs))

    tail = stash_ref[pl.ds(NCHK * CNK, LAST_EXTRA)]
    gmax = jnp.maximum(jnp.max(functools.reduce(jnp.maximum, ms)),
                       jnp.max(tail))
    acc = zero
    for m_c, s_c in zip(ms, ss):
        acc = acc + s_c * jnp.exp(m_c - gmax)
    total = jnp.sum(acc) + jnp.sum(jnp.exp(tail - gmax))
    o_ref[...] = jnp.full((B,), gmax + jnp.log(total), jnp.float32)


def _tc_norm(x1d):
    return pl.pallas_call(
        _norm_body,
        in_specs=[pl.BlockSpec(memory_space=pl.ANY)],
        out_shape=jax.ShapeDtypeStruct((B,), jnp.float32),
        scratch_shapes=[
            pltpu.VMEM((V,), jnp.float32),
            pltpu.SemaphoreType.DMA((NCHK,)),
        ],
    )(x1d)


def kernel(logits, value):
    g = _sc_gather(logits, value)
    norm = _tc_norm(logits)
    return g - norm

# --- scband reference (transcript-rebuilt; emitter-appended) ---
"""Pipeline reference for scband-categorical-module-44968307589146 (READ-ONLY COPY).

The authoritative reference and input builder live on the scoring server;
editing this copy changes nothing except your own understanding.
"""

import jax, jax.numpy as jnp
import numpy as np

VOCAB = 1000000
BATCH = 128
TEMPERATURE = 1.0


def setup_inputs(seed: int = 0) -> dict:
    key = jax.random.key(seed)
    k1, k2 = jax.random.split(key)
    logits = jax.random.normal(k1, (VOCAB,), dtype=jnp.float32)
    value = jax.random.randint(k2, (BATCH,), 0, VOCAB).astype(jnp.int32)
    return {"logits": logits, "value": value}


def reference(logits, value):
    # CategoricalModule.log_prob: LogitsMap keeps logits parametrization;
    # Categorical normalizes logits via log_softmax and gathers at `value`.
    scaled = logits / TEMPERATURE
    logp = jax.nn.log_softmax(scaled, axis=-1)
    return jnp.take(logp, value, axis=0)

if __name__ == "__main__":
    import jax
    _d = setup_inputs()
    print(jax.jit(kernel)(*tuple(_d.values())))

</pallas_src>

<mosaic_0001>
#map = affine_map<(d0, d1) -> (0)>
module attributes {stable_mosaic.version = 14 : i64} {
  func.func @_sc_gather(%arg0: i32, %arg1: i32, %arg2: memref<1000000xf32, #tpu.memory_space<hbm>>, %arg3: memref<128xi32, #tpu.memory_space<hbm>>, %arg4: memref<128xf32, #tpu.memory_space<hbm>>, %arg5: memref<128xi32, #tpu.memory_space<vmem>>, %arg6: memref<128xf32, #tpu.memory_space<vmem>>, %arg7: memref<!tpu.dma_semaphore, #tpu.memory_space<semaphore_mem>>) attributes {dimension_semantics = [#tpu.dimension_semantics<core_parallel>, #tpu.dimension_semantics<subcore_parallel>], iteration_bounds = array<i64: 1, 1>, scalar_prefetch = 0 : i64, scratch_operands = 3 : i64, tpu.core_type = #tpu.core_type<sc_vector_subcore>, window_params = [{transform_indices = #map}, {transform_indices = #map}, {transform_indices = #map}]} {
    %eq3A = arith.constant 0 : i32
    %eq3A_0 = arith.cmpi eq, %arg1, %eq3A : i32
    %eq3A_1 = arith.constant 0 : i32
    %eq3A_2 = arith.cmpi eq, %arg0, %eq3A_1 : i32
    %and3A = arith.andi %eq3A_0, %eq3A_2 : i1
    %convert_element_type3A = arith.extui %and3A : i1 to i32
    %cond3A = arith.constant 0 : i32
    %cond3A_3 = arith.cmpi ne, %convert_element_type3A, %cond3A : i32
    scf.if %cond3A_3 {
      "tpu.region"() ({
        %run_scoped3A = tpu.sem_alloc : memref<!tpu.dma_semaphore, #tpu.memory_space<semaphore_mem>>
        tpu.enqueue_dma source(%arg3 : memref<128xi32, #tpu.memory_space<hbm>>) target(%arg5 : memref<128xi32, #tpu.memory_space<vmem>>) target_semaphore(%run_scoped3A : memref<!tpu.dma_semaphore, #tpu.memory_space<semaphore_mem>>)
        tpu.wait_dma2 semaphore(%run_scoped3A : memref<!tpu.dma_semaphore, #tpu.memory_space<semaphore_mem>>) src(%arg3 : memref<128xi32, #tpu.memory_space<hbm>>) dst(%arg5 : memref<128xi32, #tpu.memory_space<vmem>>)
        tpu.yield
      }) : () -> ()
      %dma_start3A = arith.constant 0 : i32
      %dma_start3A_4 = tpu.memref_slice %arg2[%dma_start3A] : memref<1000000xf32, #tpu.memory_space<hbm>> -> memref<1000000xf32, #tpu.memory_space<hbm>>
      tpu.enqueue_indirect_dma source(%dma_start3A_4 : memref<1000000xf32, #tpu.memory_space<hbm>>) target(%arg6 : memref<128xf32, #tpu.memory_space<vmem>>) offsets(%arg5 : memref<128xi32, #tpu.memory_space<vmem>>) semaphore(%arg7 : memref<!tpu.dma_semaphore, #tpu.memory_space<semaphore_mem>>)
      %dma_wait3A = arith.constant 0 : i32
      %dma_wait3A_5 = tpu.memref_slice %arg2[%dma_wait3A] : memref<1000000xf32, #tpu.memory_space<hbm>> -> memref<1000000xf32, #tpu.memory_space<hbm>>
      tpu.wait_indirect_dma semaphore(%arg7 : memref<!tpu.dma_semaphore, #tpu.memory_space<semaphore_mem>>) src(%dma_wait3A_5 : memref<1000000xf32, #tpu.memory_space<hbm>>) dst(%arg6 : memref<128xf32, #tpu.memory_space<vmem>>)
      "tpu.region"() ({
        %run_scoped3A = tpu.sem_alloc : memref<!tpu.dma_semaphore, #tpu.memory_space<semaphore_mem>>
        tpu.enqueue_dma source(%arg6 : memref<128xf32, #tpu.memory_space<vmem>>) target(%arg4 : memref<128xf32, #tpu.memory_space<hbm>>) target_semaphore(%run_scoped3A : memref<!tpu.dma_semaphore, #tpu.memory_space<semaphore_mem>>)
        tpu.wait_dma2 semaphore(%run_scoped3A : memref<!tpu.dma_semaphore, #tpu.memory_space<semaphore_mem>>) src(%arg6 : memref<128xf32, #tpu.memory_space<vmem>>) dst(%arg4 : memref<128xf32, #tpu.memory_space<hbm>>)
        tpu.yield
      }) : () -> ()
    } else {
    }
    return
  }
}

module attributes {stable_mosaic.version = 14 : i64} {
  func.func @_norm_body(%arg0: memref<1000000xf32, #tpu.memory_space<any>>, %arg1: memref<128xf32, #tpu.memory_space<vmem>>, %arg2: memref<1000000xf32, #tpu.memory_space<vmem>>, %arg3: memref<8x!tpu.dma_semaphore, #tpu.memory_space<semaphore_mem>>) attributes {dimension_semantics = [], scalar_prefetch = 0 : i64, scratch_operands = 2 : i64, tpu.core_type = #tpu.core_type<tc>} {
    %dma_start3A = arith.constant 0 : i32
    %dma_start3A_0 = tpu.memref_slice %arg3[%dma_start3A] : memref<8x!tpu.dma_semaphore, #tpu.memory_space<semaphore_mem>> -> memref<1x!tpu.dma_semaphore, #tpu.memory_space<semaphore_mem>>
    %dma_start3A_1 = tpu.memref_squeeze %dma_start3A_0 : memref<1x!tpu.dma_semaphore, #tpu.memory_space<semaphore_mem>> -> memref<!tpu.dma_semaphore, #tpu.memory_space<semaphore_mem>>
    %dma_start3A_2 = arith.constant 0 : i32
    %dma_start3A_3 = tpu.memref_slice %arg2[%dma_start3A_2] : memref<1000000xf32, #tpu.memory_space<vmem>> -> memref<122880xf32, #tpu.memory_space<vmem>>
    %dma_start3A_4 = arith.constant 0 : i32
    %dma_start3A_5 = tpu.memref_slice %arg0[%dma_start3A_4] : memref<1000000xf32, #tpu.memory_space<any>> -> memref<122880xf32, #tpu.memory_space<any>>
    tpu.enqueue_dma source(%dma_start3A_5 : memref<122880xf32, #tpu.memory_space<any>>) target(%dma_start3A_3 : memref<122880xf32, #tpu.memory_space<vmem>>) target_semaphore(%dma_start3A_1 : memref<!tpu.dma_semaphore, #tpu.memory_space<semaphore_mem>>)
    %dma_start3A_6 = arith.constant 1 : i32
    %dma_start3A_7 = tpu.memref_slice %arg3[%dma_start3A_6] : memref<8x!tpu.dma_semaphore, #tpu.memory_space<semaphore_mem>> -> memref<1x!tpu.dma_semaphore, #tpu.memory_space<semaphore_mem>>
    %dma_start3A_8 = tpu.memref_squeeze %dma_start3A_7 : memref<1x!tpu.dma_semaphore, #tpu.memory_space<semaphore_mem>> -> memref<!tpu.dma_semaphore, #tpu.memory_space<semaphore_mem>>
    %dma_start3A_9 = arith.constant 122880 : i32
    %dma_start3A_10 = tpu.memref_slice %arg2[%dma_start3A_9] : memref<1000000xf32, #tpu.memory_space<vmem>> -> memref<122880xf32, #tpu.memory_space<vmem>>
    %dma_start3A_11 = arith.constant 122880 : i32
    %dma_start3A_12 = tpu.memref_slice %arg0[%dma_start3A_11] : memref<1000000xf32, #tpu.memory_space<any>> -> memref<122880xf32, #tpu.memory_space<any>>
    tpu.enqueue_dma source(%dma_start3A_12 : memref<122880xf32, #tpu.memory_space<any>>) target(%dma_start3A_10 : memref<122880xf32, #tpu.memory_space<vmem>>) target_semaphore(%dma_start3A_8 : memref<!tpu.dma_semaphore, #tpu.memory_space<semaphore_mem>>)
    %dma_start3A_13 = arith.constant 2 : i32
    %dma_start3A_14 = tpu.memref_slice %arg3[%dma_start3A_13] : memref<8x!tpu.dma_semaphore, #tpu.memory_space<semaphore_mem>> -> memref<1x!tpu.dma_semaphore, #tpu.memory_space<semaphore_mem>>
    %dma_start3A_15 = tpu.memref_squeeze %dma_start3A_14 : memref<1x!tpu.dma_semaphore, #tpu.memory_space<semaphore_mem>> -> memref<!tpu.dma_semaphore, #tpu.memory_space<semaphore_mem>>
    %dma_start3A_16 = arith.constant 245760 : i32
    %dma_start3A_17 = tpu.memref_slice %arg2[%dma_start3A_16] : memref<1000000xf32, #tpu.memory_space<vmem>> -> memref<122880xf32, #tpu.memory_space<vmem>>
    %dma_start3A_18 = arith.constant 245760 : i32
    %dma_start3A_19 = tpu.memref_slice %arg0[%dma_start3A_18] : memref<1000000xf32, #tpu.memory_space<any>> -> memref<122880xf32, #tpu.memory_space<any>>
    tpu.enqueue_dma source(%dma_start3A_19 : memref<122880xf32, #tpu.memory_space<any>>) target(%dma_start3A_17 : memref<122880xf32, #tpu.memory_space<vmem>>) target_semaphore(%dma_start3A_15 : memref<!tpu.dma_semaphore, #tpu.memory_space<semaphore_mem>>)
    %dma_start3A_20 = arith.constant 3 : i32
    %dma_start3A_21 = tpu.memref_slice %arg3[%dma_start3A_20] : memref<8x!tpu.dma_semaphore, #tpu.memory_space<semaphore_mem>> -> memref<1x!tpu.dma_semaphore, #tpu.memory_space<semaphore_mem>>
    %dma_start3A_22 = tpu.memref_squeeze %dma_start3A_21 : memref<1x!tpu.dma_semaphore, #tpu.memory_space<semaphore_mem>> -> memref<!tpu.dma_semaphore, #tpu.memory_space<semaphore_mem>>
    %dma_start3A_23 = arith.constant 368640 : i32
    %dma_start3A_24 = tpu.memref_slice %arg2[%dma_start3A_23] : memref<1000000xf32, #tpu.memory_space<vmem>> -> memref<122880xf32, #tpu.memory_space<vmem>>
    %dma_start3A_25 = arith.constant 368640 : i32
    %dma_start3A_26 = tpu.memref_slice %arg0[%dma_start3A_25] : memref<1000000xf32, #tpu.memory_space<any>> -> memref<122880xf32, #tpu.memory_space<any>>
    tpu.enqueue_dma source(%dma_start3A_26 : memref<122880xf32, #tpu.memory_space<any>>) target(%dma_start3A_24 : memref<122880xf32, #tpu.memory_space<vmem>>) target_semaphore(%dma_start3A_22 : memref<!tpu.dma_semaphore, #tpu.memory_space<semaphore_mem>>)
    %dma_start3A_27 = arith.constant 4 : i32
    %dma_start3A_28 = tpu.memref_slice %arg3[%dma_start3A_27] : memref<8x!tpu.dma_semaphore, #tpu.memory_space<semaphore_mem>> -> memref<1x!tpu.dma_semaphore, #tpu.memory_space<semaphore_mem>>
    %dma_start3A_29 = tpu.memref_squeeze %dma_start3A_28 : memref<1x!tpu.dma_semaphore, #tpu.memory_space<semaphore_mem>> -> memref<!tpu.dma_semaphore, #tpu.memory_space<semaphore_mem>>
    %dma_start3A_30 = arith.constant 491520 : i32
    %dma_start3A_31 = tpu.memref_slice %arg2[%dma_start3A_30] : memref<1000000xf32, #tpu.memory_space<vmem>> -> memref<122880xf32, #tpu.memory_space<vmem>>
    %dma_start3A_32 = arith.constant 491520 : i32
    %dma_start3A_33 = tpu.memref_slice %arg0[%dma_start3A_32] : memref<1000000xf32, #tpu.memory_space<any>> -> memref<122880xf32, #tpu.memory_space<any>>
    tpu.enqueue_dma source(%dma_start3A_33 : memref<122880xf32, #tpu.memory_space<any>>) target(%dma_start3A_31 : memref<122880xf32, #tpu.memory_space<vmem>>) target_semaphore(%dma_start3A_29 : memref<!tpu.dma_semaphore, #tpu.memory_space<semaphore_mem>>)
    %dma_start3A_34 = arith.constant 5 : i32
    %dma_start3A_35 = tpu.memref_slice %arg3[%dma_start3A_34] : memref<8x!tpu.dma_semaphore, #tpu.memory_space<semaphore_mem>> -> memref<1x!tpu.dma_semaphore, #tpu.memory_space<semaphore_mem>>
    %dma_start3A_36 = tpu.memref_squeeze %dma_start3A_35 : memref<1x!tpu.dma_semaphore, #tpu.memory_space<semaphore_mem>> -> memref<!tpu.dma_semaphore, #tpu.memory_space<semaphore_mem>>
    %dma_start3A_37 = arith.constant 614400 : i32
    %dma_start3A_38 = tpu.memref_slice %arg2[%dma_start3A_37] : memref<1000000xf32, #tpu.memory_space<vmem>> -> memref<122880xf32, #tpu.memory_space<vmem>>
    %dma_start3A_39 = arith.constant 614400 : i32
    %dma_start3A_40 = tpu.memref_slice %arg0[%dma_start3A_39] : memref<1000000xf32, #tpu.memory_space<any>> -> memref<122880xf32, #tpu.memory_space<any>>
    tpu.enqueue_dma source(%dma_start3A_40 : memref<122880xf32, #tpu.memory_space<any>>) target(%dma_start3A_38 : memref<122880xf32, #tpu.memory_space<vmem>>) target_semaphore(%dma_start3A_36 : memref<!tpu.dma_semaphore, #tpu.memory_space<semaphore_mem>>)
    %dma_start3A_41 = arith.constant 6 : i32
    %dma_start3A_42 = tpu.memref_slice %arg3[%dma_start3A_41] : memref<8x!tpu.dma_semaphore, #tpu.memory_space<semaphore_mem>> -> memref<1x!tpu.dma_semaphore, #tpu.memory_space<semaphore_mem>>
    %dma_start3A_43 = tpu.memref_squeeze %dma_start3A_42 : memref<1x!tpu.dma_semaphore, #tpu.memory_space<semaphore_mem>> -> memref<!tpu.dma_semaphore, #tpu.memory_space<semaphore_mem>>
    %dma_start3A_44 = arith.constant 737280 : i32
    %dma_start3A_45 = tpu.memref_slice %arg2[%dma_start3A_44] : memref<1000000xf32, #tpu.memory_space<vmem>> -> memref<122880xf32, #tpu.memory_space<vmem>>
    %dma_start3A_46 = arith.constant 737280 : i32
    %dma_start3A_47 = tpu.memref_slice %arg0[%dma_start3A_46] : memref<1000000xf32, #tpu.memory_space<any>> -> memref<122880xf32, #tpu.memory_space<any>>
    tpu.enqueue_dma source(%dma_start3A_47 : memref<122880xf32, #tpu.memory_space<any>>) target(%dma_start3A_45 : memref<122880xf32, #tpu.memory_space<vmem>>) target_semaphore(%dma_start3A_43 : memref<!tpu.dma_semaphore, #tpu.memory_space<semaphore_mem>>)
    %dma_start3A_48 = arith.constant 7 : i32
    %dma_start3A_49 = tpu.memref_slice %arg3[%dma_start3A_48] : memref<8x!tpu.dma_semaphore, #tpu.memory_space<semaphore_mem>> -> memref<1x!tpu.dma_semaphore, #tpu.memory_space<semaphore_mem>>
    %dma_start3A_50 = tpu.memref_squeeze %dma_start3A_49 : memref<1x!tpu.dma_semaphore, #tpu.memory_space<semaphore_mem>> -> memref<!tpu.dma_semaphore, #tpu.memory_space<semaphore_mem>>
    %dma_start3A_51 = arith.constant 860160 : i32
    %dma_start3A_52 = tpu.memref_slice %arg2[%dma_start3A_51] : memref<1000000xf32, #tpu.memory_space<vmem>> -> memref<139840xf32, #tpu.memory_space<vmem>>
    %dma_start3A_53 = arith.constant 860160 : i32
    %dma_start3A_54 = tpu.memref_slice %arg0[%dma_start3A_53] : memref<1000000xf32, #tpu.memory_space<any>> -> memref<139840xf32, #tpu.memory_space<any>>
    tpu.enqueue_dma source(%dma_start3A_54 : memref<139840xf32, #tpu.memory_space<any>>) target(%dma_start3A_52 : memref<139840xf32, #tpu.memory_space<vmem>>) target_semaphore(%dma_start3A_50 : memref<!tpu.dma_semaphore, #tpu.memory_space<semaphore_mem>>)
    %broadcast_in_dim3A = arith.constant 0xFF800000 : f32
    %broadcast_in_dim3A_55 = vector.broadcast %broadcast_in_dim3A : f32 to vector<1024xf32>
    %broadcast_in_dim3A_56 = arith.constant 0.000000e+00 : f32
    %broadcast_in_dim3A_57 = vector.broadcast %broadcast_in_dim3A_56 : f32 to vector<1024xf32>
    %dma_wait3A = arith.constant 0 : i32
    %dma_wait3A_58 = tpu.memref_slice %arg3[%dma_wait3A] : memref<8x!tpu.dma_semaphore, #tpu.memory_space<semaphore_mem>> -> memref<1x!tpu.dma_semaphore, #tpu.memory_space<semaphore_mem>>
    %dma_wait3A_59 = tpu.memref_squeeze %dma_wait3A_58 : memref<1x!tpu.dma_semaphore, #tpu.memory_space<semaphore_mem>> -> memref<!tpu.dma_semaphore, #tpu.memory_space<semaphore_mem>>
    %dma_wait3A_60 = arith.constant 0 : i32
    %dma_wait3A_61 = tpu.memref_slice %arg2[%dma_wait3A_60] : memref<1000000xf32, #tpu.memory_space<vmem>> -> memref<122880xf32, #tpu.memory_space<vmem>>
    %dma_wait3A_62 = arith.constant 0 : i32
    %dma_wait3A_63 = tpu.memref_slice %arg0[%dma_wait3A_62] : memref<1000000xf32, #tpu.memory_space<any>> -> memref<122880xf32, #tpu.memory_space<any>>
    tpu.wait_dma2 semaphore(%dma_wait3A_59 : memref<!tpu.dma_semaphore, #tpu.memory_space<semaphore_mem>>) src(%dma_wait3A_63 : memref<122880xf32, #tpu.memory_space<any>>) dst(%dma_wait3A_61 : memref<122880xf32, #tpu.memory_space<vmem>>)
    %scan3A = arith.constant 0 : i32
    %scan3A_64 = arith.constant 15 : i32
    %scan3A_65 = arith.addi %scan3A, %scan3A_64 : i32
    %scan3A_66 = arith.constant 1 : i32
    %scan3A_67:8 = scf.for %scan3A_389 = %scan3A to %scan3A_65 step %scan3A_66 iter_args(%scan3A_390 = %broadcast_in_dim3A_55, %scan3A_391 = %broadcast_in_dim3A_55, %scan3A_392 = %broadcast_in_dim3A_55, %scan3A_393 = %broadcast_in_dim3A_55, %scan3A_394 = %broadcast_in_dim3A_55, %scan3A_395 = %broadcast_in_dim3A_55, %scan3A_396 = %broadcast_in_dim3A_55, %scan3A_397 = %broadcast_in_dim3A_55) -> (vector<1024xf32>, vector<1024xf32>, vector<1024xf32>, vector<1024xf32>, vector<1024xf32>, vector<1024xf32>, vector<1024xf32>, vector<1024xf32>)  : i32 {
      %mul3A_398 = arith.constant 8192 : i32
      %mul3A_399 = arith.muli %scan3A_389, %mul3A_398 : i32
      %add3A_400 = arith.constant 0 : i32
      %add3A_401 = arith.addi %add3A_400, %mul3A_399 : i32
      %add3A_402 = arith.constant 0 : i32
      %add3A_403 = arith.addi %add3A_401, %add3A_402 : i32
      %get3A_404 = arith.index_cast %add3A_403 : i32 to index
      %get3A_405 = vector.load %arg2[%get3A_404] : memref<1000000xf32, #tpu.memory_space<vmem>>, vector<1024xf32>
      %max3A_406 = arith.maximumf %scan3A_390, %get3A_405 : vector<1024xf32>
      %add3A_407 = arith.constant 1024 : i32
      %add3A_408 = arith.addi %add3A_401, %add3A_407 : i32
      %get3A_409 = arith.index_cast %add3A_408 : i32 to index
      %get3A_410 = vector.load %arg2[%get3A_409] : memref<1000000xf32, #tpu.memory_space<vmem>>, vector<1024xf32>
      %max3A_411 = arith.maximumf %scan3A_391, %get3A_410 : vector<1024xf32>
      %add3A_412 = arith.constant 2048 : i32
      %add3A_413 = arith.addi %add3A_401, %add3A_412 : i32
      %get3A_414 = arith.index_cast %add3A_413 : i32 to index
      %get3A_415 = vector.load %arg2[%get3A_414] : memref<1000000xf32, #tpu.memory_space<vmem>>, vector<1024xf32>
      %max3A_416 = arith.maximumf %scan3A_392, %get3A_415 : vector<1024xf32>
      %add3A_417 = arith.constant 3072 : i32
      %add3A_418 = arith.addi %add3A_401, %add3A_417 : i32
      %get3A_419 = arith.index_cast %add3A_418 : i32 to index
      %get3A_420 = vector.load %arg2[%get3A_419] : memref<1000000xf32, #tpu.memory_space<vmem>>, vector<1024xf32>
      %max3A_421 = arith.maximumf %scan3A_393, %get3A_420 : vector<1024xf32>
      %add3A_422 = arith.constant 4096 : i32
      %add3A_423 = arith.addi %add3A_401, %add3A_422 : i32
      %get3A_424 = arith.index_cast %add3A_423 : i32 to index
      %get3A_425 = vector.load %arg2[%get3A_424] : memref<1000000xf32, #tpu.memory_space<vmem>>, vector<1024xf32>
      %max3A_426 = arith.maximumf %scan3A_394, %get3A_425 : vector<1024xf32>
      %add3A_427 = arith.constant 5120 : i32
      %add3A_428 = arith.addi %add3A_401, %add3A_427 : i32
      %get3A_429 = arith.index_cast %add3A_428 : i32 to index
      %get3A_430 = vector.load %arg2[%get3A_429] : memref<1000000xf32, #tpu.memory_space<vmem>>, vector<1024xf32>
      %max3A_431 = arith.maximumf %scan3A_395, %get3A_430 : vector<1024xf32>
      %add3A_432 = arith.constant 6144 : i32
      %add3A_433 = arith.addi %add3A_401, %add3A_432 : i32
      %get3A_434 = arith.index_cast %add3A_433 : i32 to index
      %get3A_435 = vector.load %arg2[%get3A_434] : memref<1000000xf32, #tpu.memory_space<vmem>>, vector<1024xf32>
      %max3A_436 = arith.maximumf %scan3A_396, %get3A_435 : vector<1024xf32>
      %add3A_437 = arith.constant 7168 : i32
      %add3A_438 = arith.addi %add3A_401, %add3A_437 : i32
      %get3A_439 = arith.index_cast %add3A_438 : i32 to index
      %get3A_440 = vector.load %arg2[%get3A_439] : memref<1000000xf32, #tpu.memory_space<vmem>>, vector<1024xf32>
      %max3A_441 = arith.maximumf %scan3A_397, %get3A_440 : vector<1024xf32>
      scf.yield %max3A_406, %max3A_411, %max3A_416, %max3A_421, %max3A_426, %max3A_431, %max3A_436, %max3A_441 : vector<1024xf32>, vector<1024xf32>, vector<1024xf32>, vector<1024xf32>, vector<1024xf32>, vector<1024xf32>, vector<1024xf32>, vector<1024xf32>
    }
    %scan3A_68 = arith.constant 15 : i32
    %max3A = arith.maximumf %scan3A_67#0, %scan3A_67#1 : vector<1024xf32>
    %max3A_69 = arith.maximumf %max3A, %scan3A_67#2 : vector<1024xf32>
    %max3A_70 = arith.maximumf %max3A_69, %scan3A_67#3 : vector<1024xf32>
    %max3A_71 = arith.maximumf %max3A_70, %scan3A_67#4 : vector<1024xf32>
    %max3A_72 = arith.maximumf %max3A_71, %scan3A_67#5 : vector<1024xf32>
    %max3A_73 = arith.maximumf %max3A_72, %scan3A_67#6 : vector<1024xf32>
    %max3A_74 = arith.maximumf %max3A_73, %scan3A_67#7 : vector<1024xf32>
    %scan3A_75 = arith.constant 0 : i32
    %scan3A_76 = arith.constant 15 : i32
    %scan3A_77 = arith.addi %scan3A_75, %scan3A_76 : i32
    %scan3A_78 = arith.constant 1 : i32
    %scan3A_79:8 = scf.for %scan3A_389 = %scan3A_75 to %scan3A_77 step %scan3A_78 iter_args(%scan3A_390 = %broadcast_in_dim3A_57, %scan3A_391 = %broadcast_in_dim3A_57, %scan3A_392 = %broadcast_in_dim3A_57, %scan3A_393 = %broadcast_in_dim3A_57, %scan3A_394 = %broadcast_in_dim3A_57, %scan3A_395 = %broadcast_in_dim3A_57, %scan3A_396 = %broadcast_in_dim3A_57, %scan3A_397 = %broadcast_in_dim3A_57) -> (vector<1024xf32>, vector<1024xf32>, vector<1024xf32>, vector<1024xf32>, vector<1024xf32>, vector<1024xf32>, vector<1024xf32>, vector<1024xf32>)  : i32 {
      %mul3A_398 = arith.constant 8192 : i32
      %mul3A_399 = arith.muli %scan3A_389, %mul3A_398 : i32
      %add3A_400 = arith.constant 0 : i32
      %add3A_401 = arith.addi %add3A_400, %mul3A_399 : i32
      %add3A_402 = arith.constant 0 : i32
      %add3A_403 = arith.addi %add3A_401, %add3A_402 : i32
      %get3A_404 = arith.index_cast %add3A_403 : i32 to index
      %get3A_405 = vector.load %arg2[%get3A_404] : memref<1000000xf32, #tpu.memory_space<vmem>>, vector<1024xf32>
      %sub3A_406 = arith.subf %get3A_405, %max3A_74 : vector<1024xf32>
      %exp3A_407 = math.exp %sub3A_406 : vector<1024xf32>
      %add3A_408 = arith.addf %scan3A_390, %exp3A_407 : vector<1024xf32>
      %add3A_409 = arith.constant 1024 : i32
      %add3A_410 = arith.addi %add3A_401, %add3A_409 : i32
      %get3A_411 = arith.index_cast %add3A_410 : i32 to index
      %get3A_412 = vector.load %arg2[%get3A_411] : memref<1000000xf32, #tpu.memory_space<vmem>>, vector<1024xf32>
      %sub3A_413 = arith.subf %get3A_412, %max3A_74 : vector<1024xf32>
      %exp3A_414 = math.exp %sub3A_413 : vector<1024xf32>
      %add3A_415 = arith.addf %scan3A_391, %exp3A_414 : vector<1024xf32>
      %add3A_416 = arith.constant 2048 : i32
      %add3A_417 = arith.addi %add3A_401, %add3A_416 : i32
      %get3A_418 = arith.index_cast %add3A_417 : i32 to index
      %get3A_419 = vector.load %arg2[%get3A_418] : memref<1000000xf32, #tpu.memory_space<vmem>>, vector<1024xf32>
      %sub3A_420 = arith.subf %get3A_419, %max3A_74 : vector<1024xf32>
      %exp3A_421 = math.exp %sub3A_420 : vector<1024xf32>
      %add3A_422 = arith.addf %scan3A_392, %exp3A_421 : vector<1024xf32>
      %add3A_423 = arith.constant 3072 : i32
      %add3A_424 = arith.addi %add3A_401, %add3A_423 : i32
      %get3A_425 = arith.index_cast %add3A_424 : i32 to index
      %get3A_426 = vector.load %arg2[%get3A_425] : memref<1000000xf32, #tpu.memory_space<vmem>>, vector<1024xf32>
      %sub3A_427 = arith.subf %get3A_426, %max3A_74 : vector<1024xf32>
      %exp3A_428 = math.exp %sub3A_427 : vector<1024xf32>
      %add3A_429 = arith.addf %scan3A_393, %exp3A_428 : vector<1024xf32>
      %add3A_430 = arith.constant 4096 : i32
      %add3A_431 = arith.addi %add3A_401, %add3A_430 : i32
      %get3A_432 = arith.index_cast %add3A_431 : i32 to index
      %get3A_433 = vector.load %arg2[%get3A_432] : memref<1000000xf32, #tpu.memory_space<vmem>>, vector<1024xf32>
      %sub3A_434 = arith.subf %get3A_433, %max3A_74 : vector<1024xf32>
      %exp3A_435 = math.exp %sub3A_434 : vector<1024xf32>
      %add3A_436 = arith.addf %scan3A_394, %exp3A_435 : vector<1024xf32>
      %add3A_437 = arith.constant 5120 : i32
      %add3A_438 = arith.addi %add3A_401, %add3A_437 : i32
      %get3A_439 = arith.index_cast %add3A_438 : i32 to index
      %get3A_440 = vector.load %arg2[%get3A_439] : memref<1000000xf32, #tpu.memory_space<vmem>>, vector<1024xf32>
      %sub3A_441 = arith.subf %get3A_440, %max3A_74 : vector<1024xf32>
      %exp3A_442 = math.exp %sub3A_441 : vector<1024xf32>
      %add3A_443 = arith.addf %scan3A_395, %exp3A_442 : vector<1024xf32>
      %add3A_444 = arith.constant 6144 : i32
      %add3A_445 = arith.addi %add3A_401, %add3A_444 : i32
      %get3A_446 = arith.index_cast %add3A_445 : i32 to index
      %get3A_447 = vector.load %arg2[%get3A_446] : memref<1000000xf32, #tpu.memory_space<vmem>>, vector<1024xf32>
      %sub3A_448 = arith.subf %get3A_447, %max3A_74 : vector<1024xf32>
      %exp3A_449 = math.exp %sub3A_448 : vector<1024xf32>
      %add3A_450 = arith.addf %scan3A_396, %exp3A_449 : vector<1024xf32>
      %add3A_451 = arith.constant 7168 : i32
      %add3A_452 = arith.addi %add3A_401, %add3A_451 : i32
      %get3A_453 = arith.index_cast %add3A_452 : i32 to index
      %get3A_454 = vector.load %arg2[%get3A_453] : memref<1000000xf32, #tpu.memory_space<vmem>>, vector<1024xf32>
      %sub3A_455 = arith.subf %get3A_454, %max3A_74 : vector<1024xf32>
      %exp3A_456 = math.exp %sub3A_455 : vector<1024xf32>
      %add3A_457 = arith.addf %scan3A_397, %exp3A_456 : vector<1024xf32>
      scf.yield %add3A_408, %add3A_415, %add3A_422, %add3A_429, %add3A_436, %add3A_443, %add3A_450, %add3A_457 : vector<1024xf32>, vector<1024xf32>, vector<1024xf32>, vector<1024xf32>, vector<1024xf32>, vector<1024xf32>, vector<1024xf32>, vector<1024xf32>
    }
    %scan3A_80 = arith.constant 15 : i32
    %add3A = arith.addf %scan3A_79#0, %scan3A_79#1 : vector<1024xf32>
    %add3A_81 = arith.addf %add3A, %scan3A_79#2 : vector<1024xf32>
    %add3A_82 = arith.addf %add3A_81, %scan3A_79#3 : vector<1024xf32>
    %add3A_83 = arith.addf %add3A_82, %scan3A_79#4 : vector<1024xf32>
    %add3A_84 = arith.addf %add3A_83, %scan3A_79#5 : vector<1024xf32>
    %add3A_85 = arith.addf %add3A_84, %scan3A_79#6 : vector<1024xf32>
    %add3A_86 = arith.addf %add3A_85, %scan3A_79#7 : vector<1024xf32>
    %dma_wait3A_87 = arith.constant 1 : i32
    %dma_wait3A_88 = tpu.memref_slice %arg3[%dma_wait3A_87] : memref<8x!tpu.dma_semaphore, #tpu.memory_space<semaphore_mem>> -> memref<1x!tpu.dma_semaphore, #tpu.memory_space<semaphore_mem>>
    %dma_wait3A_89 = tpu.memref_squeeze %dma_wait3A_88 : memref<1x!tpu.dma_semaphore, #tpu.memory_space<semaphore_mem>> -> memref<!tpu.dma_semaphore, #tpu.memory_space<semaphore_mem>>
    %dma_wait3A_90 = arith.constant 122880 : i32
    %dma_wait3A_91 = tpu.memref_slice %arg2[%dma_wait3A_90] : memref<1000000xf32, #tpu.memory_space<vmem>> -> memref<122880xf32, #tpu.memory_space<vmem>>
    %dma_wait3A_92 = arith.constant 122880 : i32
    %dma_wait3A_93 = tpu.memref_slice %arg0[%dma_wait3A_92] : memref<1000000xf32, #tpu.memory_space<any>> -> memref<122880xf32, #tpu.memory_space<any>>
    tpu.wait_dma2 semaphore(%dma_wait3A_89 : memref<!tpu.dma_semaphore, #tpu.memory_space<semaphore_mem>>) src(%dma_wait3A_93 : memref<122880xf32, #tpu.memory_space<any>>) dst(%dma_wait3A_91 : memref<122880xf32, #tpu.memory_space<vmem>>)
    %scan3A_94 = arith.constant 0 : i32
    %scan3A_95 = arith.constant 15 : i32
    %scan3A_96 = arith.addi %scan3A_94, %scan3A_95 : i32
    %scan3A_97 = arith.constant 1 : i32
    %scan3A_98:8 = scf.for %scan3A_389 = %scan3A_94 to %scan3A_96 step %scan3A_97 iter_args(%scan3A_390 = %broadcast_in_dim3A_55, %scan3A_391 = %broadcast_in_dim3A_55, %scan3A_392 = %broadcast_in_dim3A_55, %scan3A_393 = %broadcast_in_dim3A_55, %scan3A_394 = %broadcast_in_dim3A_55, %scan3A_395 = %broadcast_in_dim3A_55, %scan3A_396 = %broadcast_in_dim3A_55, %scan3A_397 = %broadcast_in_dim3A_55) -> (vector<1024xf32>, vector<1024xf32>, vector<1024xf32>, vector<1024xf32>, vector<1024xf32>, vector<1024xf32>, vector<1024xf32>, vector<1024xf32>)  : i32 {
      %mul3A_398 = arith.constant 8192 : i32
      %mul3A_399 = arith.muli %scan3A_389, %mul3A_398 : i32
      %add3A_400 = arith.constant 122880 : i32
      %add3A_401 = arith.addi %add3A_400, %mul3A_399 : i32
      %add3A_402 = arith.constant 0 : i32
      %add3A_403 = arith.addi %add3A_401, %add3A_402 : i32
      %get3A_404 = arith.index_cast %add3A_403 : i32 to index
      %get3A_405 = vector.load %arg2[%get3A_404] : memref<1000000xf32, #tpu.memory_space<vmem>>, vector<1024xf32>
      %max3A_406 = arith.maximumf %scan3A_390, %get3A_405 : vector<1024xf32>
      %add3A_407 = arith.constant 1024 : i32
      %add3A_408 = arith.addi %add3A_401, %add3A_407 : i32
      %get3A_409 = arith.index_cast %add3A_408 : i32 to index
      %get3A_410 = vector.load %arg2[%get3A_409] : memref<1000000xf32, #tpu.memory_space<vmem>>, vector<1024xf32>
      %max3A_411 = arith.maximumf %scan3A_391, %get3A_410 : vector<1024xf32>
      %add3A_412 = arith.constant 2048 : i32
      %add3A_413 = arith.addi %add3A_401, %add3A_412 : i32
      %get3A_414 = arith.index_cast %add3A_413 : i32 to index
      %get3A_415 = vector.load %arg2[%get3A_414] : memref<1000000xf32, #tpu.memory_space<vmem>>, vector<1024xf32>
      %max3A_416 = arith.maximumf %scan3A_392, %get3A_415 : vector<1024xf32>
      %add3A_417 = arith.constant 3072 : i32
      %add3A_418 = arith.addi %add3A_401, %add3A_417 : i32
      %get3A_419 = arith.index_cast %add3A_418 : i32 to index
      %get3A_420 = vector.load %arg2[%get3A_419] : memref<1000000xf32, #tpu.memory_space<vmem>>, vector<1024xf32>
      %max3A_421 = arith.maximumf %scan3A_393, %get3A_420 : vector<1024xf32>
      %add3A_422 = arith.constant 4096 : i32
      %add3A_423 = arith.addi %add3A_401, %add3A_422 : i32
      %get3A_424 = arith.index_cast %add3A_423 : i32 to index
      %get3A_425 = vector.load %arg2[%get3A_424] : memref<1000000xf32, #tpu.memory_space<vmem>>, vector<1024xf32>
      %max3A_426 = arith.maximumf %scan3A_394, %get3A_425 : vector<1024xf32>
      %add3A_427 = arith.constant 5120 : i32
      %add3A_428 = arith.addi %add3A_401, %add3A_427 : i32
      %get3A_429 = arith.index_cast %add3A_428 : i32 to index
      %get3A_430 = vector.load %arg2[%get3A_429] : memref<1000000xf32, #tpu.memory_space<vmem>>, vector<1024xf32>
      %max3A_431 = arith.maximumf %scan3A_395, %get3A_430 : vector<1024xf32>
      %add3A_432 = arith.constant 6144 : i32
      %add3A_433 = arith.addi %add3A_401, %add3A_432 : i32
      %get3A_434 = arith.index_cast %add3A_433 : i32 to index
      %get3A_435 = vector.load %arg2[%get3A_434] : memref<1000000xf32, #tpu.memory_space<vmem>>, vector<1024xf32>
      %max3A_436 = arith.maximumf %scan3A_396, %get3A_435 : vector<1024xf32>
      %add3A_437 = arith.constant 7168 : i32
      %add3A_438 = arith.addi %add3A_401, %add3A_437 : i32
      %get3A_439 = arith.index_cast %add3A_438 : i32 to index
      %get3A_440 = vector.load %arg2[%get3A_439] : memref<1000000xf32, #tpu.memory_space<vmem>>, vector<1024xf32>
      %max3A_441 = arith.maximumf %scan3A_397, %get3A_440 : vector<1024xf32>
      scf.yield %max3A_406, %max3A_411, %max3A_416, %max3A_421, %max3A_426, %max3A_431, %max3A_436, %max3A_441 : vector<1024xf32>, vector<1024xf32>, vector<1024xf32>, vector<1024xf32>, vector<1024xf32>, vector<1024xf32>, vector<1024xf32>, vector<1024xf32>
    }
    %scan3A_99 = arith.constant 15 : i32
    %max3A_100 = arith.maximumf %scan3A_98#0, %scan3A_98#1 : vector<1024xf32>
    %max3A_101 = arith.maximumf %max3A_100, %scan3A_98#2 : vector<1024xf32>
    %max3A_102 = arith.maximumf %max3A_101, %scan3A_98#3 : vector<1024xf32>
    %max3A_103 = arith.maximumf %max3A_102, %scan3A_98#4 : vector<1024xf32>
    %max3A_104 = arith.maximumf %max3A_103, %scan3A_98#5 : vector<1024xf32>
    %max3A_105 = arith.maximumf %max3A_104, %scan3A_98#6 : vector<1024xf32>
    %max3A_106 = arith.maximumf %max3A_105, %scan3A_98#7 : vector<1024xf32>
    %scan3A_107 = arith.constant 0 : i32
    %scan3A_108 = arith.constant 15 : i32
    %scan3A_109 = arith.addi %scan3A_107, %scan3A_108 : i32
    %scan3A_110 = arith.constant 1 : i32
    %scan3A_111:8 = scf.for %scan3A_389 = %scan3A_107 to %scan3A_109 step %scan3A_110 iter_args(%scan3A_390 = %broadcast_in_dim3A_57, %scan3A_391 = %broadcast_in_dim3A_57, %scan3A_392 = %broadcast_in_dim3A_57, %scan3A_393 = %broadcast_in_dim3A_57, %scan3A_394 = %broadcast_in_dim3A_57, %scan3A_395 = %broadcast_in_dim3A_57, %scan3A_396 = %broadcast_in_dim3A_57, %scan3A_397 = %broadcast_in_dim3A_57) -> (vector<1024xf32>, vector<1024xf32>, vector<1024xf32>, vector<1024xf32>, vector<1024xf32>, vector<1024xf32>, vector<1024xf32>, vector<1024xf32>)  : i32 {
      %mul3A_398 = arith.constant 8192 : i32
      %mul3A_399 = arith.muli %scan3A_389, %mul3A_398 : i32
      %add3A_400 = arith.constant 122880 : i32
      %add3A_401 = arith.addi %add3A_400, %mul3A_399 : i32
      %add3A_402 = arith.constant 0 : i32
      %add3A_403 = arith.addi %add3A_401, %add3A_402 : i32
      %get3A_404 = arith.index_cast %add3A_403 : i32 to index
      %get3A_405 = vector.load %arg2[%get3A_404] : memref<1000000xf32, #tpu.memory_space<vmem>>, vector<1024xf32>
      %sub3A_406 = arith.subf %get3A_405, %max3A_106 : vector<1024xf32>
      %exp3A_407 = math.exp %sub3A_406 : vector<1024xf32>
      %add3A_408 = arith.addf %scan3A_390, %exp3A_407 : vector<1024xf32>
      %add3A_409 = arith.constant 1024 : i32
      %add3A_410 = arith.addi %add3A_401, %add3A_409 : i32
      %get3A_411 = arith.index_cast %add3A_410 : i32 to index
      %get3A_412 = vector.load %arg2[%get3A_411] : memref<1000000xf32, #tpu.memory_space<vmem>>, vector<1024xf32>
      %sub3A_413 = arith.subf %get3A_412, %max3A_106 : vector<1024xf32>
      %exp3A_414 = math.exp %sub3A_413 : vector<1024xf32>
      %add3A_415 = arith.addf %scan3A_391, %exp3A_414 : vector<1024xf32>
      %add3A_416 = arith.constant 2048 : i32
      %add3A_417 = arith.addi %add3A_401, %add3A_416 : i32
      %get3A_418 = arith.index_cast %add3A_417 : i32 to index
      %get3A_419 = vector.load %arg2[%get3A_418] : memref<1000000xf32, #tpu.memory_space<vmem>>, vector<1024xf32>
      %sub3A_420 = arith.subf %get3A_419, %max3A_106 : vector<1024xf32>
      %exp3A_421 = math.exp %sub3A_420 : vector<1024xf32>
      %add3A_422 = arith.addf %scan3A_392, %exp3A_421 : vector<1024xf32>
      %add3A_423 = arith.constant 3072 : i32
      %add3A_424 = arith.addi %add3A_401, %add3A_423 : i32
      %get3A_425 = arith.index_cast %add3A_424 : i32 to index
      %get3A_426 = vector.load %arg2[%get3A_425] : memref<1000000xf32, #tpu.memory_space<vmem>>, vector<1024xf32>
      %sub3A_427 = arith.subf %get3A_426, %max3A_106 : vector<1024xf32>
      %exp3A_428 = math.exp %sub3A_427 : vector<1024xf32>
      %add3A_429 = arith.addf %scan3A_393, %exp3A_428 : vector<1024xf32>
      %add3A_430 = arith.constant 4096 : i32
      %add3A_431 = arith.addi %add3A_401, %add3A_430 : i32
      %get3A_432 = arith.index_cast %add3A_431 : i32 to index
      %get3A_433 = vector.load %arg2[%get3A_432] : memref<1000000xf32, #tpu.memory_space<vmem>>, vector<1024xf32>
      %sub3A_434 = arith.subf %get3A_433, %max3A_106 : vector<1024xf32>
      %exp3A_435 = math.exp %sub3A_434 : vector<1024xf32>
      %add3A_436 = arith.addf %scan3A_394, %exp3A_435 : vector<1024xf32>
      %add3A_437 = arith.constant 5120 : i32
      %add3A_438 = arith.addi %add3A_401, %add3A_437 : i32
      %get3A_439 = arith.index_cast %add3A_438 : i32 to index
      %get3A_440 = vector.load %arg2[%get3A_439] : memref<1000000xf32, #tpu.memory_space<vmem>>, vector<1024xf32>
      %sub3A_441 = arith.subf %get3A_440, %max3A_106 : vector<1024xf32>
      %exp3A_442 = math.exp %sub3A_441 : vector<1024xf32>
      %add3A_443 = arith.addf %scan3A_395, %exp3A_442 : vector<1024xf32>
      %add3A_444 = arith.constant 6144 : i32
      %add3A_445 = arith.addi %add3A_401, %add3A_444 : i32
      %get3A_446 = arith.index_cast %add3A_445 : i32 to index
      %get3A_447 = vector.load %arg2[%get3A_446] : memref<1000000xf32, #tpu.memory_space<vmem>>, vector<1024xf32>
      %sub3A_448 = arith.subf %get3A_447, %max3A_106 : vector<1024xf32>
      %exp3A_449 = math.exp %sub3A_448 : vector<1024xf32>
      %add3A_450 = arith.addf %scan3A_396, %exp3A_449 : vector<1024xf32>
      %add3A_451 = arith.constant 7168 : i32
      %add3A_452 = arith.addi %add3A_401, %add3A_451 : i32
      %get3A_453 = arith.index_cast %add3A_452 : i32 to index
      %get3A_454 = vector.load %arg2[%get3A_453] : memref<1000000xf32, #tpu.memory_space<vmem>>, vector<1024xf32>
      %sub3A_455 = arith.subf %get3A_454, %max3A_106 : vector<1024xf32>
      %exp3A_456 = math.exp %sub3A_455 : vector<1024xf32>
      %add3A_457 = arith.addf %scan3A_397, %exp3A_456 : vector<1024xf32>
      scf.yield %add3A_408, %add3A_415, %add3A_422, %add3A_429, %add3A_436, %add3A_443, %add3A_450, %add3A_457 : vector<1024xf32>, vector<1024xf32>, vector<1024xf32>, vector<1024xf32>, vector<1024xf32>, vector<1024xf32>, vector<1024xf32>, vector<1024xf32>
    }
    %scan3A_112 = arith.constant 15 : i32
    %add3A_113 = arith.addf %scan3A_111#0, %scan3A_111#1 : vector<1024xf32>
    %add3A_114 = arith.addf %add3A_113, %scan3A_111#2 : vector<1024xf32>
    %add3A_115 = arith.addf %add3A_114, %scan3A_111#3 : vector<1024xf32>
    %add3A_116 = arith.addf %add3A_115, %scan3A_111#4 : vector<1024xf32>
    %add3A_117 = arith.addf %add3A_116, %scan3A_111#5 : vector<1024xf32>
    %add3A_118 = arith.addf %add3A_117, %scan3A_111#6 : vector<1024xf32>
    %add3A_119 = arith.addf %add3A_118, %scan3A_111#7 : vector<1024xf32>
    %dma_wait3A_120 = arith.constant 2 : i32
    %dma_wait3A_121 = tpu.memref_slice %arg3[%dma_wait3A_120] : memref<8x!tpu.dma_semaphore, #tpu.memory_space<semaphore_mem>> -> memref<1x!tpu.dma_semaphore, #tpu.memory_space<semaphore_mem>>
    %dma_wait3A_122 = tpu.memref_squeeze %dma_wait3A_121 : memref<1x!tpu.dma_semaphore, #tpu.memory_space<semaphore_mem>> -> memref<!tpu.dma_semaphore, #tpu.memory_space<semaphore_mem>>
    %dma_wait3A_123 = arith.constant 245760 : i32
    %dma_wait3A_124 = tpu.memref_slice %arg2[%dma_wait3A_123] : memref<1000000xf32, #tpu.memory_space<vmem>> -> memref<122880xf32, #tpu.memory_space<vmem>>
    %dma_wait3A_125 = arith.constant 245760 : i32
    %dma_wait3A_126 = tpu.memref_slice %arg0[%dma_wait3A_125] : memref<1000000xf32, #tpu.memory_space<any>> -> memref<122880xf32, #tpu.memory_space<any>>
    tpu.wait_dma2 semaphore(%dma_wait3A_122 : memref<!tpu.dma_semaphore, #tpu.memory_space<semaphore_mem>>) src(%dma_wait3A_126 : memref<122880xf32, #tpu.memory_space<any>>) dst(%dma_wait3A_124 : memref<122880xf32, #tpu.memory_space<vmem>>)
    %scan3A_127 = arith.constant 0 : i32
    %scan3A_128 = arith.constant 15 : i32
    %scan3A_129 = arith.addi %scan3A_127, %scan3A_128 : i32
    %scan3A_130 = arith.constant 1 : i32
    %scan3A_131:8 = scf.for %scan3A_389 = %scan3A_127 to %scan3A_129 step %scan3A_130 iter_args(%scan3A_390 = %broadcast_in_dim3A_55, %scan3A_391 = %broadcast_in_dim3A_55, %scan3A_392 = %broadcast_in_dim3A_55, %scan3A_393 = %broadcast_in_dim3A_55, %scan3A_394 = %broadcast_in_dim3A_55, %scan3A_395 = %broadcast_in_dim3A_55, %scan3A_396 = %broadcast_in_dim3A_55, %scan3A_397 = %broadcast_in_dim3A_55) -> (vector<1024xf32>, vector<1024xf32>, vector<1024xf32>, vector<1024xf32>, vector<1024xf32>, vector<1024xf32>, vector<1024xf32>, vector<1024xf32>)  : i32 {
      %mul3A_398 = arith.constant 8192 : i32
      %mul3A_399 = arith.muli %scan3A_389, %mul3A_398 : i32
      %add3A_400 = arith.constant 245760 : i32
      %add3A_401 = arith.addi %add3A_400, %mul3A_399 : i32
      %add3A_402 = arith.constant 0 : i32
      %add3A_403 = arith.addi %add3A_401, %add3A_402 : i32
      %get3A_404 = arith.index_cast %add3A_403 : i32 to index
      %get3A_405 = vector.load %arg2[%get3A_404] : memref<1000000xf32, #tpu.memory_space<vmem>>, vector<1024xf32>
      %max3A_406 = arith.maximumf %scan3A_390, %get3A_405 : vector<1024xf32>
      %add3A_407 = arith.constant 1024 : i32
      %add3A_408 = arith.addi %add3A_401, %add3A_407 : i32
      %get3A_409 = arith.index_cast %add3A_408 : i32 to index
      %get3A_410 = vector.load %arg2[%get3A_409] : memref<1000000xf32, #tpu.memory_space<vmem>>, vector<1024xf32>
      %max3A_411 = arith.maximumf %scan3A_391, %get3A_410 : vector<1024xf32>
      %add3A_412 = arith.constant 2048 : i32
      %add3A_413 = arith.addi %add3A_401, %add3A_412 : i32
      %get3A_414 = arith.index_cast %add3A_413 : i32 to index
      %get3A_415 = vector.load %arg2[%get3A_414] : memref<1000000xf32, #tpu.memory_space<vmem>>, vector<1024xf32>
      %max3A_416 = arith.maximumf %scan3A_392, %get3A_415 : vector<1024xf32>
      %add3A_417 = arith.constant 3072 : i32
      %add3A_418 = arith.addi %add3A_401, %add3A_417 : i32
      %get3A_419 = arith.index_cast %add3A_418 : i32 to index
      %get3A_420 = vector.load %arg2[%get3A_419] : memref<1000000xf32, #tpu.memory_space<vmem>>, vector<1024xf32>
      %max3A_421 = arith.maximumf %scan3A_393, %get3A_420 : vector<1024xf32>
      %add3A_422 = arith.constant 4096 : i32
      %add3A_423 = arith.addi %add3A_401, %add3A_422 : i32
      %get3A_424 = arith.index_cast %add3A_423 : i32 to index
      %get3A_425 = vector.load %arg2[%get3A_424] : memref<1000000xf32, #tpu.memory_space<vmem>>, vector<1024xf32>
      %max3A_426 = arith.maximumf %scan3A_394, %get3A_425 : vector<1024xf32>
      %add3A_427 = arith.constant 5120 : i32
      %add3A_428 = arith.addi %add3A_401, %add3A_427 : i32
      %get3A_429 = arith.index_cast %add3A_428 : i32 to index
      %get3A_430 = vector.load %arg2[%get3A_429] : memref<1000000xf32, #tpu.memory_space<vmem>>, vector<1024xf32>
      %max3A_431 = arith.maximumf %scan3A_395, %get3A_430 : vector<1024xf32>
      %add3A_432 = arith.constant 6144 : i32
      %add3A_433 = arith.addi %add3A_401, %add3A_432 : i32
      %get3A_434 = arith.index_cast %add3A_433 : i32 to index
      %get3A_435 = vector.load %arg2[%get3A_434] : memref<1000000xf32, #tpu.memory_space<vmem>>, vector<1024xf32>
      %max3A_436 = arith.maximumf %scan3A_396, %get3A_435 : vector<1024xf32>
      %add3A_437 = arith.constant 7168 : i32
      %add3A_438 = arith.addi %add3A_401, %add3A_437 : i32
      %get3A_439 = arith.index_cast %add3A_438 : i32 to index
      %get3A_440 = vector.load %arg2[%get3A_439] : memref<1000000xf32, #tpu.memory_space<vmem>>, vector<1024xf32>
      %max3A_441 = arith.maximumf %scan3A_397, %get3A_440 : vector<1024xf32>
      scf.yield %max3A_406, %max3A_411, %max3A_416, %max3A_421, %max3A_426, %max3A_431, %max3A_436, %max3A_441 : vector<1024xf32>, vector<1024xf32>, vector<1024xf32>, vector<1024xf32>, vector<1024xf32>, vector<1024xf32>, vector<1024xf32>, vector<1024xf32>
    }
    %scan3A_132 = arith.constant 15 : i32
    %max3A_133 = arith.maximumf %scan3A_131#0, %scan3A_131#1 : vector<1024xf32>
    %max3A_134 = arith.maximumf %max3A_133, %scan3A_131#2 : vector<1024xf32>
    %max3A_135 = arith.maximumf %max3A_134, %scan3A_131#3 : vector<1024xf32>
    %max3A_136 = arith.maximumf %max3A_135, %scan3A_131#4 : vector<1024xf32>
    %max3A_137 = arith.maximumf %max3A_136, %scan3A_131#5 : vector<1024xf32>
    %max3A_138 = arith.maximumf %max3A_137, %scan3A_131#6 : vector<1024xf32>
    %max3A_139 = arith.maximumf %max3A_138, %scan3A_131#7 : vector<1024xf32>
    %scan3A_140 = arith.constant 0 : i32
    %scan3A_141 = arith.constant 15 : i32
    %scan3A_142 = arith.addi %scan3A_140, %scan3A_141 : i32
    %scan3A_143 = arith.constant 1 : i32
    %scan3A_144:8 = scf.for %scan3A_389 = %scan3A_140 to %scan3A_142 step %scan3A_143 iter_args(%scan3A_390 = %broadcast_in_dim3A_57, %scan3A_391 = %broadcast_in_dim3A_57, %scan3A_392 = %broadcast_in_dim3A_57, %scan3A_393 = %broadcast_in_dim3A_57, %scan3A_394 = %broadcast_in_dim3A_57, %scan3A_395 = %broadcast_in_dim3A_57, %scan3A_396 = %broadcast_in_dim3A_57, %scan3A_397 = %broadcast_in_dim3A_57) -> (vector<1024xf32>, vector<1024xf32>, vector<1024xf32>, vector<1024xf32>, vector<1024xf32>, vector<1024xf32>, vector<1024xf32>, vector<1024xf32>)  : i32 {
      %mul3A_398 = arith.constant 8192 : i32
      %mul3A_399 = arith.muli %scan3A_389, %mul3A_398 : i32
      %add3A_400 = arith.constant 245760 : i32
      %add3A_401 = arith.addi %add3A_400, %mul3A_399 : i32
      %add3A_402 = arith.constant 0 : i32
      %add3A_403 = arith.addi %add3A_401, %add3A_402 : i32
      %get3A_404 = arith.index_cast %add3A_403 : i32 to index
      %get3A_405 = vector.load %arg2[%get3A_404] : memref<1000000xf32, #tpu.memory_space<vmem>>, vector<1024xf32>
      %sub3A_406 = arith.subf %get3A_405, %max3A_139 : vector<1024xf32>
      %exp3A_407 = math.exp %sub3A_406 : vector<1024xf32>
      %add3A_408 = arith.addf %scan3A_390, %exp3A_407 : vector<1024xf32>
      %add3A_409 = arith.constant 1024 : i32
      %add3A_410 = arith.addi %add3A_401, %add3A_409 : i32
      %get3A_411 = arith.index_cast %add3A_410 : i32 to index
      %get3A_412 = vector.load %arg2[%get3A_411] : memref<1000000xf32, #tpu.memory_space<vmem>>, vector<1024xf32>
      %sub3A_413 = arith.subf %get3A_412, %max3A_139 : vector<1024xf32>
      %exp3A_414 = math.exp %sub3A_413 : vector<1024xf32>
      %add3A_415 = arith.addf %scan3A_391, %exp3A_414 : vector<1024xf32>
      %add3A_416 = arith.constant 2048 : i32
      %add3A_417 = arith.addi %add3A_401, %add3A_416 : i32
      %get3A_418 = arith.index_cast %add3A_417 : i32 to index
      %get3A_419 = vector.load %arg2[%get3A_418] : memref<1000000xf32, #tpu.memory_space<vmem>>, vector<1024xf32>
      %sub3A_420 = arith.subf %get3A_419, %max3A_139 : vector<1024xf32>
      %exp3A_421 = math.exp %sub3A_420 : vector<1024xf32>
      %add3A_422 = arith.addf %scan3A_392, %exp3A_421 : vector<1024xf32>
      %add3A_423 = arith.constant 3072 : i32
      %add3A_424 = arith.addi %add3A_401, %add3A_423 : i32
      %get3A_425 = arith.index_cast %add3A_424 : i32 to index
      %get3A_426 = vector.load %arg2[%get3A_425] : memref<1000000xf32, #tpu.memory_space<vmem>>, vector<1024xf32>
      %sub3A_427 = arith.subf %get3A_426, %max3A_139 : vector<1024xf32>
      %exp3A_428 = math.exp %sub3A_427 : vector<1024xf32>
      %add3A_429 = arith.addf %scan3A_393, %exp3A_428 : vector<1024xf32>
      %add3A_430 = arith.constant 4096 : i32
      %add3A_431 = arith.addi %add3A_401, %add3A_430 : i32
      %get3A_432 = arith.index_cast %add3A_431 : i32 to index
      %get3A_433 = vector.load %arg2[%get3A_432] : memref<1000000xf32, #tpu.memory_space<vmem>>, vector<1024xf32>
      %sub3A_434 = arith.subf %get3A_433, %max3A_139 : vector<1024xf32>
      %exp3A_435 = math.exp %sub3A_434 : vector<1024xf32>
      %add3A_436 = arith.addf %scan3A_394, %exp3A_435 : vector<1024xf32>
      %add3A_437 = arith.constant 5120 : i32
      %add3A_438 = arith.addi %add3A_401, %add3A_437 : i32
      %get3A_439 = arith.index_cast %add3A_438 : i32 to index
      %get3A_440 = vector.load %arg2[%get3A_439] : memref<1000000xf32, #tpu.memory_space<vmem>>, vector<1024xf32>
      %sub3A_441 = arith.subf %get3A_440, %max3A_139 : vector<1024xf32>
      %exp3A_442 = math.exp %sub3A_441 : vector<1024xf32>
      %add3A_443 = arith.addf %scan3A_395, %exp3A_442 : vector<1024xf32>
      %add3A_444 = arith.constant 6144 : i32
      %add3A_445 = arith.addi %add3A_401, %add3A_444 : i32
      %get3A_446 = arith.index_cast %add3A_445 : i32 to index
      %get3A_447 = vector.load %arg2[%get3A_446] : memref<1000000xf32, #tpu.memory_space<vmem>>, vector<1024xf32>
      %sub3A_448 = arith.subf %get3A_447, %max3A_139 : vector<1024xf32>
      %exp3A_449 = math.exp %sub3A_448 : vector<1024xf32>
      %add3A_450 = arith.addf %scan3A_396, %exp3A_449 : vector<1024xf32>
      %add3A_451 = arith.constant 7168 : i32
      %add3A_452 = arith.addi %add3A_401, %add3A_451 : i32
      %get3A_453 = arith.index_cast %add3A_452 : i32 to index
      %get3A_454 = vector.load %arg2[%get3A_453] : memref<1000000xf32, #tpu.memory_space<vmem>>, vector<1024xf32>
      %sub3A_455 = arith.subf %get3A_454, %max3A_139 : vector<1024xf32>
      %exp3A_456 = math.exp %sub3A_455 : vector<1024xf32>
      %add3A_457 = arith.addf %scan3A_397, %exp3A_456 : vector<1024xf32>
      scf.yield %add3A_408, %add3A_415, %add3A_422, %add3A_429, %add3A_436, %add3A_443, %add3A_450, %add3A_457 : vector<1024xf32>, vector<1024xf32>, vector<1024xf32>, vector<1024xf32>, vector<1024xf32>, vector<1024xf32>, vector<1024xf32>, vector<1024xf32>
    }
    %scan3A_145 = arith.constant 15 : i32
    %add3A_146 = arith.addf %scan3A_144#0, %scan3A_144#1 : vector<1024xf32>
    %add3A_147 = arith.addf %add3A_146, %scan3A_144#2 : vector<1024xf32>
    %add3A_148 = arith.addf %add3A_147, %scan3A_144#3 : vector<1024xf32>
    %add3A_149 = arith.addf %add3A_148, %scan3A_144#4 : vector<1024xf32>
    %add3A_150 = arith.addf %add3A_149, %scan3A_144#5 : vector<1024xf32>
    %add3A_151 = arith.addf %add3A_150, %scan3A_144#6 : vector<1024xf32>
    %add3A_152 = arith.addf %add3A_151, %scan3A_144#7 : vector<1024xf32>
    %dma_wait3A_153 = arith.constant 3 : i32
    %dma_wait3A_154 = tpu.memref_slice %arg3[%dma_wait3A_153] : memref<8x!tpu.dma_semaphore, #tpu.memory_space<semaphore_mem>> -> memref<1x!tpu.dma_semaphore, #tpu.memory_space<semaphore_mem>>
    %dma_wait3A_155 = tpu.memref_squeeze %dma_wait3A_154 : memref<1x!tpu.dma_semaphore, #tpu.memory_space<semaphore_mem>> -> memref<!tpu.dma_semaphore, #tpu.memory_space<semaphore_mem>>
    %dma_wait3A_156 = arith.constant 368640 : i32
    %dma_wait3A_157 = tpu.memref_slice %arg2[%dma_wait3A_156] : memref<1000000xf32, #tpu.memory_space<vmem>> -> memref<122880xf32, #tpu.memory_space<vmem>>
    %dma_wait3A_158 = arith.constant 368640 : i32
    %dma_wait3A_159 = tpu.memref_slice %arg0[%dma_wait3A_158] : memref<1000000xf32, #tpu.memory_space<any>> -> memref<122880xf32, #tpu.memory_space<any>>
    tpu.wait_dma2 semaphore(%dma_wait3A_155 : memref<!tpu.dma_semaphore, #tpu.memory_space<semaphore_mem>>) src(%dma_wait3A_159 : memref<122880xf32, #tpu.memory_space<any>>) dst(%dma_wait3A_157 : memref<122880xf32, #tpu.memory_space<vmem>>)
    %scan3A_160 = arith.constant 0 : i32
    %scan3A_161 = arith.constant 15 : i32
    %scan3A_162 = arith.addi %scan3A_160, %scan3A_161 : i32
    %scan3A_163 = arith.constant 1 : i32
    %scan3A_164:8 = scf.for %scan3A_389 = %scan3A_160 to %scan3A_162 step %scan3A_163 iter_args(%scan3A_390 = %broadcast_in_dim3A_55, %scan3A_391 = %broadcast_in_dim3A_55, %scan3A_392 = %broadcast_in_dim3A_55, %scan3A_393 = %broadcast_in_dim3A_55, %scan3A_394 = %broadcast_in_dim3A_55, %scan3A_395 = %broadcast_in_dim3A_55, %scan3A_396 = %broadcast_in_dim3A_55, %scan3A_397 = %broadcast_in_dim3A_55) -> (vector<1024xf32>, vector<1024xf32>, vector<1024xf32>, vector<1024xf32>, vector<1024xf32>, vector<1024xf32>, vector<1024xf32>, vector<1024xf32>)  : i32 {
      %mul3A_398 = arith.constant 8192 : i32
      %mul3A_399 = arith.muli %scan3A_389, %mul3A_398 : i32
      %add3A_400 = arith.constant 368640 : i32
      %add3A_401 = arith.addi %add3A_400, %mul3A_399 : i32
      %add3A_402 = arith.constant 0 : i32
      %add3A_403 = arith.addi %add3A_401, %add3A_402 : i32
      %get3A_404 = arith.index_cast %add3A_403 : i32 to index
      %get3A_405 = vector.load %arg2[%get3A_404] : memref<1000000xf32, #tpu.memory_space<vmem>>, vector<1024xf32>
      %max3A_406 = arith.maximumf %scan3A_390, %get3A_405 : vector<1024xf32>
      %add3A_407 = arith.constant 1024 : i32
      %add3A_408 = arith.addi %add3A_401, %add3A_407 : i32
      %get3A_409 = arith.index_cast %add3A_408 : i32 to index
      %get3A_410 = vector.load %arg2[%get3A_409] : memref<1000000xf32, #tpu.memory_space<vmem>>, vector<1024xf32>
      %max3A_411 = arith.maximumf %scan3A_391, %get3A_410 : vector<1024xf32>
      %add3A_412 = arith.constant 2048 : i32
      %add3A_413 = arith.addi %add3A_401, %add3A_412 : i32
      %get3A_414 = arith.index_cast %add3A_413 : i32 to index
      %get3A_415 = vector.load %arg2[%get3A_414] : memref<1000000xf32, #tpu.memory_space<vmem>>, vector<1024xf32>
      %max3A_416 = arith.maximumf %scan3A_392, %get3A_415 : vector<1024xf32>
      %add3A_417 = arith.constant 3072 : i32
      %add3A_418 = arith.addi %add3A_401, %add3A_417 : i32
      %get3A_419 = arith.index_cast %add3A_418 : i32 to index
      %get3A_420 = vector.load %arg2[%get3A_419] : memref<1000000xf32, #tpu.memory_space<vmem>>, vector<1024xf32>
      %max3A_421 = arith.maximumf %scan3A_393, %get3A_420 : vector<1024xf32>
      %add3A_422 = arith.constant 4096 : i32
      %add3A_423 = arith.addi %add3A_401, %add3A_422 : i32
      %get3A_424 = arith.index_cast %add3A_423 : i32 to index
      %get3A_425 = vector.load %arg2[%get3A_424] : memref<1000000xf32, #tpu.memory_space<vmem>>, vector<1024xf32>
      %max3A_426 = arith.maximumf %scan3A_394, %get3A_425 : vector<1024xf32>
      %add3A_427 = arith.constant 5120 : i32
      %add3A_428 = arith.addi %add3A_401, %add3A_427 : i32
      %get3A_429 = arith.index_cast %add3A_428 : i32 to index
      %get3A_430 = vector.load %arg2[%get3A_429] : memref<1000000xf32, #tpu.memory_space<vmem>>, vector<1024xf32>
      %max3A_431 = arith.maximumf %scan3A_395, %get3A_430 : vector<1024xf32>
      %add3A_432 = arith.constant 6144 : i32
      %add3A_433 = arith.addi %add3A_401, %add3A_432 : i32
      %get3A_434 = arith.index_cast %add3A_433 : i32 to index
      %get3A_435 = vector.load %arg2[%get3A_434] : memref<1000000xf32, #tpu.memory_space<vmem>>, vector<1024xf32>
      %max3A_436 = arith.maximumf %scan3A_396, %get3A_435 : vector<1024xf32>
      %add3A_437 = arith.constant 7168 : i32
      %add3A_438 = arith.addi %add3A_401, %add3A_437 : i32
      %get3A_439 = arith.index_cast %add3A_438 : i32 to index
      %get3A_440 = vector.load %arg2[%get3A_439] : memref<1000000xf32, #tpu.memory_space<vmem>>, vector<1024xf32>
      %max3A_441 = arith.maximumf %scan3A_397, %get3A_440 : vector<1024xf32>
      scf.yield %max3A_406, %max3A_411, %max3A_416, %max3A_421, %max3A_426, %max3A_431, %max3A_436, %max3A_441 : vector<1024xf32>, vector<1024xf32>, vector<1024xf32>, vector<1024xf32>, vector<1024xf32>, vector<1024xf32>, vector<1024xf32>, vector<1024xf32>
    }
    %scan3A_165 = arith.constant 15 : i32
    %max3A_166 = arith.maximumf %scan3A_164#0, %scan3A_164#1 : vector<1024xf32>
    %max3A_167 = arith.maximumf %max3A_166, %scan3A_164#2 : vector<1024xf32>
    %max3A_168 = arith.maximumf %max3A_167, %scan3A_164#3 : vector<1024xf32>
    %max3A_169 = arith.maximumf %max3A_168, %scan3A_164#4 : vector<1024xf32>
    %max3A_170 = arith.maximumf %max3A_169, %scan3A_164#5 : vector<1024xf32>
    %max3A_171 = arith.maximumf %max3A_170, %scan3A_164#6 : vector<1024xf32>
    %max3A_172 = arith.maximumf %max3A_171, %scan3A_164#7 : vector<1024xf32>
    %scan3A_173 = arith.constant 0 : i32
    %scan3A_174 = arith.constant 15 : i32
    %scan3A_175 = arith.addi %scan3A_173, %scan3A_174 : i32
    %scan3A_176 = arith.constant 1 : i32
    %scan3A_177:8 = scf.for %scan3A_389 = %scan3A_173 to %scan3A_175 step %scan3A_176 iter_args(%scan3A_390 = %broadcast_in_dim3A_57, %scan3A_391 = %broadcast_in_dim3A_57, %scan3A_392 = %broadcast_in_dim3A_57, %scan3A_393 = %broadcast_in_dim3A_57, %scan3A_394 = %broadcast_in_dim3A_57, %scan3A_395 = %broadcast_in_dim3A_57, %scan3A_396 = %broadcast_in_dim3A_57, %scan3A_397 = %broadcast_in_dim3A_57) -> (vector<1024xf32>, vector<1024xf32>, vector<1024xf32>, vector<1024xf32>, vector<1024xf32>, vector<1024xf32>, vector<1024xf32>, vector<1024xf32>)  : i32 {
      %mul3A_398 = arith.constant 8192 : i32
      %mul3A_399 = arith.muli %scan3A_389, %mul3A_398 : i32
      %add3A_400 = arith.constant 368640 : i32
      %add3A_401 = arith.addi %add3A_400, %mul3A_399 : i32
      %add3A_402 = arith.constant 0 : i32
      %add3A_403 = arith.addi %add3A_401, %add3A_402 : i32
      %get3A_404 = arith.index_cast %add3A_403 : i32 to index
      %get3A_405 = vector.load %arg2[%get3A_404] : memref<1000000xf32, #tpu.memory_space<vmem>>, vector<1024xf32>
      %sub3A_406 = arith.subf %get3A_405, %max3A_172 : vector<1024xf32>
      %exp3A_407 = math.exp %sub3A_406 : vector<1024xf32>
      %add3A_408 = arith.addf %scan3A_390, %exp3A_407 : vector<1024xf32>
      %add3A_409 = arith.constant 1024 : i32
      %add3A_410 = arith.addi %add3A_401, %add3A_409 : i32
      %get3A_411 = arith.index_cast %add3A_410 : i32 to index
      %get3A_412 = vector.load %arg2[%get3A_411] : memref<1000000xf32, #tpu.memory_space<vmem>>, vector<1024xf32>
      %sub3A_413 = arith.subf %get3A_412, %max3A_172 : vector<1024xf32>
      %exp3A_414 = math.exp %sub3A_413 : vector<1024xf32>
      %add3A_415 = arith.addf %scan3A_391, %exp3A_414 : vector<1024xf32>
      %add3A_416 = arith.constant 2048 : i32
      %add3A_417 = arith.addi %add3A_401, %add3A_416 : i32
      %get3A_418 = arith.index_cast %add3A_417 : i32 to index
      %get3A_419 = vector.load %arg2[%get3A_418] : memref<1000000xf32, #tpu.memory_space<vmem>>, vector<1024xf32>
      %sub3A_420 = arith.subf %get3A_419, %max3A_172 : vector<1024xf32>
      %exp3A_421 = math.exp %sub3A_420 : vector<1024xf32>
      %add3A_422 = arith.addf %scan3A_392, %exp3A_421 : vector<1024xf32>
      %add3A_423 = arith.constant 3072 : i32
      %add3A_424 = arith.addi %add3A_401, %add3A_423 : i32
      %get3A_425 = arith.index_cast %add3A_424 : i32 to index
      %get3A_426 = vector.load %arg2[%get3A_425] : memref<1000000xf32, #tpu.memory_space<vmem>>, vector<1024xf32>
      %sub3A_427 = arith.subf %get3A_426, %max3A_172 : vector<1024xf32>
      %exp3A_428 = math.exp %sub3A_427 : vector<1024xf32>
      %add3A_429 = arith.addf %scan3A_393, %exp3A_428 : vector<1024xf32>
      %add3A_430 = arith.constant 4096 : i32
      %add3A_431 = arith.addi %add3A_401, %add3A_430 : i32
      %get3A_432 = arith.index_cast %add3A_431 : i32 to index
      %get3A_433 = vector.load %arg2[%get3A_432] : memref<1000000xf32, #tpu.memory_space<vmem>>, vector<1024xf32>
      %sub3A_434 = arith.subf %get3A_433, %max3A_172 : vector<1024xf32>
      %exp3A_435 = math.exp %sub3A_434 : vector<1024xf32>
      %add3A_436 = arith.addf %scan3A_394, %exp3A_435 : vector<1024xf32>
      %add3A_437 = arith.constant 5120 : i32
      %add3A_438 = arith.addi %add3A_401, %add3A_437 : i32
      %get3A_439 = arith.index_cast %add3A_438 : i32 to index
      %get3A_440 = vector.load %arg2[%get3A_439] : memref<1000000xf32, #tpu.memory_space<vmem>>, vector<1024xf32>
      %sub3A_441 = arith.subf %get3A_440, %max3A_172 : vector<1024xf32>
      %exp3A_442 = math.exp %sub3A_441 : vector<1024xf32>
      %add3A_443 = arith.addf %scan3A_395, %exp3A_442 : vector<1024xf32>
      %add3A_444 = arith.constant 6144 : i32
      %add3A_445 = arith.addi %add3A_401, %add3A_444 : i32
      %get3A_446 = arith.index_cast %add3A_445 : i32 to index
      %get3A_447 = vector.load %arg2[%get3A_446] : memref<1000000xf32, #tpu.memory_space<vmem>>, vector<1024xf32>
      %sub3A_448 = arith.subf %get3A_447, %max3A_172 : vector<1024xf32>
      %exp3A_449 = math.exp %sub3A_448 : vector<1024xf32>
      %add3A_450 = arith.addf %scan3A_396, %exp3A_449 : vector<1024xf32>
      %add3A_451 = arith.constant 7168 : i32
      %add3A_452 = arith.addi %add3A_401, %add3A_451 : i32
      %get3A_453 = arith.index_cast %add3A_452 : i32 to index
      %get3A_454 = vector.load %arg2[%get3A_453] : memref<1000000xf32, #tpu.memory_space<vmem>>, vector<1024xf32>
      %sub3A_455 = arith.subf %get3A_454, %max3A_172 : vector<1024xf32>
      %exp3A_456 = math.exp %sub3A_455 : vector<1024xf32>
      %add3A_457 = arith.addf %scan3A_397, %exp3A_456 : vector<1024xf32>
      scf.yield %add3A_408, %add3A_415, %add3A_422, %add3A_429, %add3A_436, %add3A_443, %add3A_450, %add3A_457 : vector<1024xf32>, vector<1024xf32>, vector<1024xf32>, vector<1024xf32>, vector<1024xf32>, vector<1024xf32>, vector<1024xf32>, vector<1024xf32>
    }
    %scan3A_178 = arith.constant 15 : i32
    %add3A_179 = arith.addf %scan3A_177#0, %scan3A_177#1 : vector<1024xf32>
    %add3A_180 = arith.addf %add3A_179, %scan3A_177#2 : vector<1024xf32>
    %add3A_181 = arith.addf %add3A_180, %scan3A_177#3 : vector<1024xf32>
    %add3A_182 = arith.addf %add3A_181, %scan3A_177#4 : vector<1024xf32>
    %add3A_183 = arith.addf %add3A_182, %scan3A_177#5 : vector<1024xf32>
    %add3A_184 = arith.addf %add3A_183, %scan3A_177#6 : vector<1024xf32>
    %add3A_185 = arith.addf %add3A_184, %scan3A_177#7 : vector<1024xf32>
    %dma_wait3A_186 = arith.constant 4 : i32
    %dma_wait3A_187 = tpu.memref_slice %arg3[%dma_wait3A_186] : memref<8x!tpu.dma_semaphore, #tpu.memory_space<semaphore_mem>> -> memref<1x!tpu.dma_semaphore, #tpu.memory_space<semaphore_mem>>
    %dma_wait3A_188 = tpu.memref_squeeze %dma_wait3A_187 : memref<1x!tpu.dma_semaphore, #tpu.memory_space<semaphore_mem>> -> memref<!tpu.dma_semaphore, #tpu.memory_space<semaphore_mem>>
    %dma_wait3A_189 = arith.constant 491520 : i32
    %dma_wait3A_190 = tpu.memref_slice %arg2[%dma_wait3A_189] : memref<1000000xf32, #tpu.memory_space<vmem>> -> memref<122880xf32, #tpu.memory_space<vmem>>
    %dma_wait3A_191 = arith.constant 491520 : i32
    %dma_wait3A_192 = tpu.memref_slice %arg0[%dma_wait3A_191] : memref<1000000xf32, #tpu.memory_space<any>> -> memref<122880xf32, #tpu.memory_space<any>>
    tpu.wait_dma2 semaphore(%dma_wait3A_188 : memref<!tpu.dma_semaphore, #tpu.memory_space<semaphore_mem>>) src(%dma_wait3A_192 : memref<122880xf32, #tpu.memory_space<any>>) dst(%dma_wait3A_190 : memref<122880xf32, #tpu.memory_space<vmem>>)
    %scan3A_193 = arith.constant 0 : i32
    %scan3A_194 = arith.constant 15 : i32
    %scan3A_195 = arith.addi %scan3A_193, %scan3A_194 : i32
    %scan3A_196 = arith.constant 1 : i32
    %scan3A_197:8 = scf.for %scan3A_389 = %scan3A_193 to %scan3A_195 step %scan3A_196 iter_args(%scan3A_390 = %broadcast_in_dim3A_55, %scan3A_391 = %broadcast_in_dim3A_55, %scan3A_392 = %broadcast_in_dim3A_55, %scan3A_393 = %broadcast_in_dim3A_55, %scan3A_394 = %broadcast_in_dim3A_55, %scan3A_395 = %broadcast_in_dim3A_55, %scan3A_396 = %broadcast_in_dim3A_55, %scan3A_397 = %broadcast_in_dim3A_55) -> (vector<1024xf32>, vector<1024xf32>, vector<1024xf32>, vector<1024xf32>, vector<1024xf32>, vector<1024xf32>, vector<1024xf32>, vector<1024xf32>)  : i32 {
      %mul3A_398 = arith.constant 8192 : i32
      %mul3A_399 = arith.muli %scan3A_389, %mul3A_398 : i32
      %add3A_400 = arith.constant 491520 : i32
      %add3A_401 = arith.addi %add3A_400, %mul3A_399 : i32
      %add3A_402 = arith.constant 0 : i32
      %add3A_403 = arith.addi %add3A_401, %add3A_402 : i32
      %get3A_404 = arith.index_cast %add3A_403 : i32 to index
      %get3A_405 = vector.load %arg2[%get3A_404] : memref<1000000xf32, #tpu.memory_space<vmem>>, vector<1024xf32>
      %max3A_406 = arith.maximumf %scan3A_390, %get3A_405 : vector<1024xf32>
      %add3A_407 = arith.constant 1024 : i32
      %add3A_408 = arith.addi %add3A_401, %add3A_407 : i32
      %get3A_409 = arith.index_cast %add3A_408 : i32 to index
      %get3A_410 = vector.load %arg2[%get3A_409] : memref<1000000xf32, #tpu.memory_space<vmem>>, vector<1024xf32>
      %max3A_411 = arith.maximumf %scan3A_391, %get3A_410 : vector<1024xf32>
      %add3A_412 = arith.constant 2048 : i32
      %add3A_413 = arith.addi %add3A_401, %add3A_412 : i32
      %get3A_414 = arith.index_cast %add3A_413 : i32 to index
      %get3A_415 = vector.load %arg2[%get3A_414] : memref<1000000xf32, #tpu.memory_space<vmem>>, vector<1024xf32>
      %max3A_416 = arith.maximumf %scan3A_392, %get3A_415 : vector<1024xf32>
      %add3A_417 = arith.constant 3072 : i32
      %add3A_418 = arith.addi %add3A_401, %add3A_417 : i32
      %get3A_419 = arith.index_cast %add3A_418 : i32 to index
      %get3A_420 = vector.load %arg2[%get3A_419] : memref<1000000xf32, #tpu.memory_space<vmem>>, vector<1024xf32>
      %max3A_421 = arith.maximumf %scan3A_393, %get3A_420 : vector<1024xf32>
      %add3A_422 = arith.constant 4096 : i32
      %add3A_423 = arith.addi %add3A_401, %add3A_422 : i32
      %get3A_424 = arith.index_cast %add3A_423 : i32 to index
      %get3A_425 = vector.load %arg2[%get3A_424] : memref<1000000xf32, #tpu.memory_space<vmem>>, vector<1024xf32>
      %max3A_426 = arith.maximumf %scan3A_394, %get3A_425 : vector<1024xf32>
      %add3A_427 = arith.constant 5120 : i32
      %add3A_428 = arith.addi %add3A_401, %add3A_427 : i32
      %get3A_429 = arith.index_cast %add3A_428 : i32 to index
      %get3A_430 = vector.load %arg2[%get3A_429] : memref<1000000xf32, #tpu.memory_space<vmem>>, vector<1024xf32>
      %max3A_431 = arith.maximumf %scan3A_395, %get3A_430 : vector<1024xf32>
      %add3A_432 = arith.constant 6144 : i32
      %add3A_433 = arith.addi %add3A_401, %add3A_432 : i32
      %get3A_434 = arith.index_cast %add3A_433 : i32 to index
      %get3A_435 = vector.load %arg2[%get3A_434] : memref<1000000xf32, #tpu.memory_space<vmem>>, vector<1024xf32>
      %max3A_436 = arith.maximumf %scan3A_396, %get3A_435 : vector<1024xf32>
      %add3A_437 = arith.constant 7168 : i32
      %add3A_438 = arith.addi %add3A_401, %add3A_437 : i32
      %get3A_439 = arith.index_cast %add3A_438 : i32 to index
      %get3A_440 = vector.load %arg2[%get3A_439] : memref<1000000xf32, #tpu.memory_space<vmem>>, vector<1024xf32>
      %max3A_441 = arith.maximumf %scan3A_397, %get3A_440 : vector<1024xf32>
      scf.yield %max3A_406, %max3A_411, %max3A_416, %max3A_421, %max3A_426, %max3A_431, %max3A_436, %max3A_441 : vector<1024xf32>, vector<1024xf32>, vector<1024xf32>, vector<1024xf32>, vector<1024xf32>, vector<1024xf32>, vector<1024xf32>, vector<1024xf32>
    }
    %scan3A_198 = arith.constant 15 : i32
    %max3A_199 = arith.maximumf %scan3A_197#0, %scan3A_197#1 : vector<1024xf32>
    %max3A_200 = arith.maximumf %max3A_199, %scan3A_197#2 : vector<1024xf32>
    %max3A_201 = arith.maximumf %max3A_200, %scan3A_197#3 : vector<1024xf32>
    %max3A_202 = arith.maximumf %max3A_201, %scan3A_197#4 : vector<1024xf32>
    %max3A_203 = arith.maximumf %max3A_202, %scan3A_197#5 : vector<1024xf32>
    %max3A_204 = arith.maximumf %max3A_203, %scan3A_197#6 : vector<1024xf32>
    %max3A_205 = arith.maximumf %max3A_204, %scan3A_197#7 : vector<1024xf32>
    %scan3A_206 = arith.constant 0 : i32
    %scan3A_207 = arith.constant 15 : i32
    %scan3A_208 = arith.addi %scan3A_206, %scan3A_207 : i32
    %scan3A_209 = arith.constant 1 : i32
    %scan3A_210:8 = scf.for %scan3A_389 = %scan3A_206 to %scan3A_208 step %scan3A_209 iter_args(%scan3A_390 = %broadcast_in_dim3A_57, %scan3A_391 = %broadcast_in_dim3A_57, %scan3A_392 = %broadcast_in_dim3A_57, %scan3A_393 = %broadcast_in_dim3A_57, %scan3A_394 = %broadcast_in_dim3A_57, %scan3A_395 = %broadcast_in_dim3A_57, %scan3A_396 = %broadcast_in_dim3A_57, %scan3A_397 = %broadcast_in_dim3A_57) -> (vector<1024xf32>, vector<1024xf32>, vector<1024xf32>, vector<1024xf32>, vector<1024xf32>, vector<1024xf32>, vector<1024xf32>, vector<1024xf32>)  : i32 {
      %mul3A_398 = arith.constant 8192 : i32
      %mul3A_399 = arith.muli %scan3A_389, %mul3A_398 : i32
      %add3A_400 = arith.constant 491520 : i32
      %add3A_401 = arith.addi %add3A_400, %mul3A_399 : i32
      %add3A_402 = arith.constant 0 : i32
      %add3A_403 = arith.addi %add3A_401, %add3A_402 : i32
      %get3A_404 = arith.index_cast %add3A_403 : i32 to index
      %get3A_405 = vector.load %arg2[%get3A_404] : memref<1000000xf32, #tpu.memory_space<vmem>>, vector<1024xf32>
      %sub3A_406 = arith.subf %get3A_405, %max3A_205 : vector<1024xf32>
      %exp3A_407 = math.exp %sub3A_406 : vector<1024xf32>
      %add3A_408 = arith.addf %scan3A_390, %exp3A_407 : vector<1024xf32>
      %add3A_409 = arith.constant 1024 : i32
      %add3A_410 = arith.addi %add3A_401, %add3A_409 : i32
      %get3A_411 = arith.index_cast %add3A_410 : i32 to index
      %get3A_412 = vector.load %arg2[%get3A_411] : memref<1000000xf32, #tpu.memory_space<vmem>>, vector<1024xf32>
      %sub3A_413 = arith.subf %get3A_412, %max3A_205 : vector<1024xf32>
      %exp3A_414 = math.exp %sub3A_413 : vector<1024xf32>
      %add3A_415 = arith.addf %scan3A_391, %exp3A_414 : vector<1024xf32>
      %add3A_416 = arith.constant 2048 : i32
      %add3A_417 = arith.addi %add3A_401, %add3A_416 : i32
      %get3A_418 = arith.index_cast %add3A_417 : i32 to index
      %get3A_419 = vector.load %arg2[%get3A_418] : memref<1000000xf32, #tpu.memory_space<vmem>>, vector<1024xf32>
      %sub3A_420 = arith.subf %get3A_419, %max3A_205 : vector<1024xf32>
      %exp3A_421 = math.exp %sub3A_420 : vector<1024xf32>
      %add3A_422 = arith.addf %scan3A_392, %exp3A_421 : vector<1024xf32>
      %add3A_423 = arith.constant 3072 : i32
      %add3A_424 = arith.addi %add3A_401, %add3A_423 : i32
      %get3A_425 = arith.index_cast %add3A_424 : i32 to index
      %get3A_426 = vector.load %arg2[%get3A_425] : memref<1000000xf32, #tpu.memory_space<vmem>>, vector<1024xf32>
      %sub3A_427 = arith.subf %get3A_426, %max3A_205 : vector<1024xf32>
      %exp3A_428 = math.exp %sub3A_427 : vector<1024xf32>
      %add3A_429 = arith.addf %scan3A_393, %exp3A_428 : vector<1024xf32>
      %add3A_430 = arith.constant 4096 : i32
      %add3A_431 = arith.addi %add3A_401, %add3A_430 : i32
      %get3A_432 = arith.index_cast %add3A_431 : i32 to index
      %get3A_433 = vector.load %arg2[%get3A_432] : memref<1000000xf32, #tpu.memory_space<vmem>>, vector<1024xf32>
      %sub3A_434 = arith.subf %get3A_433, %max3A_205 : vector<1024xf32>
      %exp3A_435 = math.exp %sub3A_434 : vector<1024xf32>
      %add3A_436 = arith.addf %scan3A_394, %exp3A_435 : vector<1024xf32>
      %add3A_437 = arith.constant 5120 : i32
      %add3A_438 = arith.addi %add3A_401, %add3A_437 : i32
      %get3A_439 = arith.index_cast %add3A_438 : i32 to index
      %get3A_440 = vector.load %arg2[%get3A_439] : memref<1000000xf32, #tpu.memory_space<vmem>>, vector<1024xf32>
      %sub3A_441 = arith.subf %get3A_440, %max3A_205 : vector<1024xf32>
      %exp3A_442 = math.exp %sub3A_441 : vector<1024xf32>
      %add3A_443 = arith.addf %scan3A_395, %exp3A_442 : vector<1024xf32>
      %add3A_444 = arith.constant 6144 : i32
      %add3A_445 = arith.addi %add3A_401, %add3A_444 : i32
      %get3A_446 = arith.index_cast %add3A_445 : i32 to index
      %get3A_447 = vector.load %arg2[%get3A_446] : memref<1000000xf32, #tpu.memory_space<vmem>>, vector<1024xf32>
      %sub3A_448 = arith.subf %get3A_447, %max3A_205 : vector<1024xf32>
      %exp3A_449 = math.exp %sub3A_448 : vector<1024xf32>
      %add3A_450 = arith.addf %scan3A_396, %exp3A_449 : vector<1024xf32>
      %add3A_451 = arith.constant 7168 : i32
      %add3A_452 = arith.addi %add3A_401, %add3A_451 : i32
      %get3A_453 = arith.index_cast %add3A_452 : i32 to index
      %get3A_454 = vector.load %arg2[%get3A_453] : memref<1000000xf32, #tpu.memory_space<vmem>>, vector<1024xf32>
      %sub3A_455 = arith.subf %get3A_454, %max3A_205 : vector<1024xf32>
      %exp3A_456 = math.exp %sub3A_455 : vector<1024xf32>
      %add3A_457 = arith.addf %scan3A_397, %exp3A_456 : vector<1024xf32>
      scf.yield %add3A_408, %add3A_415, %add3A_422, %add3A_429, %add3A_436, %add3A_443, %add3A_450, %add3A_457 : vector<1024xf32>, vector<1024xf32>, vector<1024xf32>, vector<1024xf32>, vector<1024xf32>, vector<1024xf32>, vector<1024xf32>, vector<1024xf32>
    }
    %scan3A_211 = arith.constant 15 : i32
    %add3A_212 = arith.addf %scan3A_210#0, %scan3A_210#1 : vector<1024xf32>
    %add3A_213 = arith.addf %add3A_212, %scan3A_210#2 : vector<1024xf32>
    %add3A_214 = arith.addf %add3A_213, %scan3A_210#3 : vector<1024xf32>
    %add3A_215 = arith.addf %add3A_214, %scan3A_210#4 : vector<1024xf32>
    %add3A_216 = arith.addf %add3A_215, %scan3A_210#5 : vector<1024xf32>
    %add3A_217 = arith.addf %add3A_216, %scan3A_210#6 : vector<1024xf32>
    %add3A_218 = arith.addf %add3A_217, %scan3A_210#7 : vector<1024xf32>
    %dma_wait3A_219 = arith.constant 5 : i32
    %dma_wait3A_220 = tpu.memref_slice %arg3[%dma_wait3A_219] : memref<8x!tpu.dma_semaphore, #tpu.memory_space<semaphore_mem>> -> memref<1x!tpu.dma_semaphore, #tpu.memory_space<semaphore_mem>>
    %dma_wait3A_221 = tpu.memref_squeeze %dma_wait3A_220 : memref<1x!tpu.dma_semaphore, #tpu.memory_space<semaphore_mem>> -> memref<!tpu.dma_semaphore, #tpu.memory_space<semaphore_mem>>
    %dma_wait3A_222 = arith.constant 614400 : i32
    %dma_wait3A_223 = tpu.memref_slice %arg2[%dma_wait3A_222] : memref<1000000xf32, #tpu.memory_space<vmem>> -> memref<122880xf32, #tpu.memory_space<vmem>>
    %dma_wait3A_224 = arith.constant 614400 : i32
    %dma_wait3A_225 = tpu.memref_slice %arg0[%dma_wait3A_224] : memref<1000000xf32, #tpu.memory_space<any>> -> memref<122880xf32, #tpu.memory_space<any>>
    tpu.wait_dma2 semaphore(%dma_wait3A_221 : memref<!tpu.dma_semaphore, #tpu.memory_space<semaphore_mem>>) src(%dma_wait3A_225 : memref<122880xf32, #tpu.memory_space<any>>) dst(%dma_wait3A_223 : memref<122880xf32, #tpu.memory_space<vmem>>)
    %scan3A_226 = arith.constant 0 : i32
    %scan3A_227 = arith.constant 15 : i32
    %scan3A_228 = arith.addi %scan3A_226, %scan3A_227 : i32
    %scan3A_229 = arith.constant 1 : i32
    %scan3A_230:8 = scf.for %scan3A_389 = %scan3A_226 to %scan3A_228 step %scan3A_229 iter_args(%scan3A_390 = %broadcast_in_dim3A_55, %scan3A_391 = %broadcast_in_dim3A_55, %scan3A_392 = %broadcast_in_dim3A_55, %scan3A_393 = %broadcast_in_dim3A_55, %scan3A_394 = %broadcast_in_dim3A_55, %scan3A_395 = %broadcast_in_dim3A_55, %scan3A_396 = %broadcast_in_dim3A_55, %scan3A_397 = %broadcast_in_dim3A_55) -> (vector<1024xf32>, vector<1024xf32>, vector<1024xf32>, vector<1024xf32>, vector<1024xf32>, vector<1024xf32>, vector<1024xf32>, vector<1024xf32>)  : i32 {
      %mul3A_398 = arith.constant 8192 : i32
      %mul3A_399 = arith.muli %scan3A_389, %mul3A_398 : i32
      %add3A_400 = arith.constant 614400 : i32
      %add3A_401 = arith.addi %add3A_400, %mul3A_399 : i32
      %add3A_402 = arith.constant 0 : i32
      %add3A_403 = arith.addi %add3A_401, %add3A_402 : i32
      %get3A_404 = arith.index_cast %add3A_403 : i32 to index
      %get3A_405 = vector.load %arg2[%get3A_404] : memref<1000000xf32, #tpu.memory_space<vmem>>, vector<1024xf32>
      %max3A_406 = arith.maximumf %scan3A_390, %get3A_405 : vector<1024xf32>
      %add3A_407 = arith.constant 1024 : i32
      %add3A_408 = arith.addi %add3A_401, %add3A_407 : i32
      %get3A_409 = arith.index_cast %add3A_408 : i32 to index
      %get3A_410 = vector.load %arg2[%get3A_409] : memref<1000000xf32, #tpu.memory_space<vmem>>, vector<1024xf32>
      %max3A_411 = arith.maximumf %scan3A_391, %get3A_410 : vector<1024xf32>
      %add3A_412 = arith.constant 2048 : i32
      %add3A_413 = arith.addi %add3A_401, %add3A_412 : i32
      %get3A_414 = arith.index_cast %add3A_413 : i32 to index
      %get3A_415 = vector.load %arg2[%get3A_414] : memref<1000000xf32, #tpu.memory_space<vmem>>, vector<1024xf32>
      %max3A_416 = arith.maximumf %scan3A_392, %get3A_415 : vector<1024xf32>
      %add3A_417 = arith.constant 3072 : i32
      %add3A_418 = arith.addi %add3A_401, %add3A_417 : i32
      %get3A_419 = arith.index_cast %add3A_418 : i32 to index
      %get3A_420 = vector.load %arg2[%get3A_419] : memref<1000000xf32, #tpu.memory_space<vmem>>, vector<1024xf32>
      %max3A_421 = arith.maximumf %scan3A_393, %get3A_420 : vector<1024xf32>
      %add3A_422 = arith.constant 4096 : i32
      %add3A_423 = arith.addi %add3A_401, %add3A_422 : i32
      %get3A_424 = arith.index_cast %add3A_423 : i32 to index
      %get3A_425 = vector.load %arg2[%get3A_424] : memref<1000000xf32, #tpu.memory_space<vmem>>, vector<1024xf32>
      %max3A_426 = arith.maximumf %scan3A_394, %get3A_425 : vector<1024xf32>
      %add3A_427 = arith.constant 5120 : i32
      %add3A_428 = arith.addi %add3A_401, %add3A_427 : i32
      %get3A_429 = arith.index_cast %add3A_428 : i32 to index
      %get3A_430 = vector.load %arg2[%get3A_429] : memref<1000000xf32, #tpu.memory_space<vmem>>, vector<1024xf32>
      %max3A_431 = arith.maximumf %scan3A_395, %get3A_430 : vector<1024xf32>
      %add3A_432 = arith.constant 6144 : i32
      %add3A_433 = arith.addi %add3A_401, %add3A_432 : i32
      %get3A_434 = arith.index_cast %add3A_433 : i32 to index
      %get3A_435 = vector.load %arg2[%get3A_434] : memref<1000000xf32, #tpu.memory_space<vmem>>, vector<1024xf32>
      %max3A_436 = arith.maximumf %scan3A_396, %get3A_435 : vector<1024xf32>
      %add3A_437 = arith.constant 7168 : i32
      %add3A_438 = arith.addi %add3A_401, %add3A_437 : i32
      %get3A_439 = arith.index_cast %add3A_438 : i32 to index
      %get3A_440 = vector.load %arg2[%get3A_439] : memref<1000000xf32, #tpu.memory_space<vmem>>, vector<1024xf32>
      %max3A_441 = arith.maximumf %scan3A_397, %get3A_440 : vector<1024xf32>
      scf.yield %max3A_406, %max3A_411, %max3A_416, %max3A_421, %max3A_426, %max3A_431, %max3A_436, %max3A_441 : vector<1024xf32>, vector<1024xf32>, vector<1024xf32>, vector<1024xf32>, vector<1024xf32>, vector<1024xf32>, vector<1024xf32>, vector<1024xf32>
    }
    %scan3A_231 = arith.constant 15 : i32
    %max3A_232 = arith.maximumf %scan3A_230#0, %scan3A_230#1 : vector<1024xf32>
    %max3A_233 = arith.maximumf %max3A_232, %scan3A_230#2 : vector<1024xf32>
    %max3A_234 = arith.maximumf %max3A_233, %scan3A_230#3 : vector<1024xf32>
    %max3A_235 = arith.maximumf %max3A_234, %scan3A_230#4 : vector<1024xf32>
    %max3A_236 = arith.maximumf %max3A_235, %scan3A_230#5 : vector<1024xf32>
    %max3A_237 = arith.maximumf %max3A_236, %scan3A_230#6 : vector<1024xf32>
    %max3A_238 = arith.maximumf %max3A_237, %scan3A_230#7 : vector<1024xf32>
    %scan3A_239 = arith.constant 0 : i32
    %scan3A_240 = arith.constant 15 : i32
    %scan3A_241 = arith.addi %scan3A_239, %scan3A_240 : i32
    %scan3A_242 = arith.constant 1 : i32
    %scan3A_243:8 = scf.for %scan3A_389 = %scan3A_239 to %scan3A_241 step %scan3A_242 iter_args(%scan3A_390 = %broadcast_in_dim3A_57, %scan3A_391 = %broadcast_in_dim3A_57, %scan3A_392 = %broadcast_in_dim3A_57, %scan3A_393 = %broadcast_in_dim3A_57, %scan3A_394 = %broadcast_in_dim3A_57, %scan3A_395 = %broadcast_in_dim3A_57, %scan3A_396 = %broadcast_in_dim3A_57, %scan3A_397 = %broadcast_in_dim3A_57) -> (vector<1024xf32>, vector<1024xf32>, vector<1024xf32>, vector<1024xf32>, vector<1024xf32>, vector<1024xf32>, vector<1024xf32>, vector<1024xf32>)  : i32 {
      %mul3A_398 = arith.constant 8192 : i32
      %mul3A_399 = arith.muli %scan3A_389, %mul3A_398 : i32
      %add3A_400 = arith.constant 614400 : i32
      %add3A_401 = arith.addi %add3A_400, %mul3A_399 : i32
      %add3A_402 = arith.constant 0 : i32
      %add3A_403 = arith.addi %add3A_401, %add3A_402 : i32
      %get3A_404 = arith.index_cast %add3A_403 : i32 to index
      %get3A_405 = vector.load %arg2[%get3A_404] : memref<1000000xf32, #tpu.memory_space<vmem>>, vector<1024xf32>
      %sub3A_406 = arith.subf %get3A_405, %max3A_238 : vector<1024xf32>
      %exp3A_407 = math.exp %sub3A_406 : vector<1024xf32>
      %add3A_408 = arith.addf %scan3A_390, %exp3A_407 : vector<1024xf32>
      %add3A_409 = arith.constant 1024 : i32
      %add3A_410 = arith.addi %add3A_401, %add3A_409 : i32
      %get3A_411 = arith.index_cast %add3A_410 : i32 to index
      %get3A_412 = vector.load %arg2[%get3A_411] : memref<1000000xf32, #tpu.memory_space<vmem>>, vector<1024xf32>
      %sub3A_413 = arith.subf %get3A_412, %max3A_238 : vector<1024xf32>
      %exp3A_414 = math.exp %sub3A_413 : vector<1024xf32>
      %add3A_415 = arith.addf %scan3A_391, %exp3A_414 : vector<1024xf32>
      %add3A_416 = arith.constant 2048 : i32
      %add3A_417 = arith.addi %add3A_401, %add3A_416 : i32
      %get3A_418 = arith.index_cast %add3A_417 : i32 to index
      %get3A_419 = vector.load %arg2[%get3A_418] : memref<1000000xf32, #tpu.memory_space<vmem>>, vector<1024xf32>
      %sub3A_420 = arith.subf %get3A_419, %max3A_238 : vector<1024xf32>
      %exp3A_421 = math.exp %sub3A_420 : vector<1024xf32>
      %add3A_422 = arith.addf %scan3A_392, %exp3A_421 : vector<1024xf32>
      %add3A_423 = arith.constant 3072 : i32
      %add3A_424 = arith.addi %add3A_401, %add3A_423 : i32
      %get3A_425 = arith.index_cast %add3A_424 : i32 to index
      %get3A_426 = vector.load %arg2[%get3A_425] : memref<1000000xf32, #tpu.memory_space<vmem>>, vector<1024xf32>
      %sub3A_427 = arith.subf %get3A_426, %max3A_238 : vector<1024xf32>
      %exp3A_428 = math.exp %sub3A_427 : vector<1024xf32>
      %add3A_429 = arith.addf %scan3A_393, %exp3A_428 : vector<1024xf32>
      %add3A_430 = arith.constant 4096 : i32
      %add3A_431 = arith.addi %add3A_401, %add3A_430 : i32
      %get3A_432 = arith.index_cast %add3A_431 : i32 to index
      %get3A_433 = vector.load %arg2[%get3A_432] : memref<1000000xf32, #tpu.memory_space<vmem>>, vector<1024xf32>
      %sub3A_434 = arith.subf %get3A_433, %max3A_238 : vector<1024xf32>
      %exp3A_435 = math.exp %sub3A_434 : vector<1024xf32>
      %add3A_436 = arith.addf %scan3A_394, %exp3A_435 : vector<1024xf32>
      %add3A_437 = arith.constant 5120 : i32
      %add3A_438 = arith.addi %add3A_401, %add3A_437 : i32
      %get3A_439 = arith.index_cast %add3A_438 : i32 to index
      %get3A_440 = vector.load %arg2[%get3A_439] : memref<1000000xf32, #tpu.memory_space<vmem>>, vector<1024xf32>
      %sub3A_441 = arith.subf %get3A_440, %max3A_238 : vector<1024xf32>
      %exp3A_442 = math.exp %sub3A_441 : vector<1024xf32>
      %add3A_443 = arith.addf %scan3A_395, %exp3A_442 : vector<1024xf32>
      %add3A_444 = arith.constant 6144 : i32
      %add3A_445 = arith.addi %add3A_401, %add3A_444 : i32
      %get3A_446 = arith.index_cast %add3A_445 : i32 to index
      %get3A_447 = vector.load %arg2[%get3A_446] : memref<1000000xf32, #tpu.memory_space<vmem>>, vector<1024xf32>
      %sub3A_448 = arith.subf %get3A_447, %max3A_238 : vector<1024xf32>
      %exp3A_449 = math.exp %sub3A_448 : vector<1024xf32>
      %add3A_450 = arith.addf %scan3A_396, %exp3A_449 : vector<1024xf32>
      %add3A_451 = arith.constant 7168 : i32
      %add3A_452 = arith.addi %add3A_401, %add3A_451 : i32
      %get3A_453 = arith.index_cast %add3A_452 : i32 to index
      %get3A_454 = vector.load %arg2[%get3A_453] : memref<1000000xf32, #tpu.memory_space<vmem>>, vector<1024xf32>
      %sub3A_455 = arith.subf %get3A_454, %max3A_238 : vector<1024xf32>
      %exp3A_456 = math.exp %sub3A_455 : vector<1024xf32>
      %add3A_457 = arith.addf %scan3A_397, %exp3A_456 : vector<1024xf32>
      scf.yield %add3A_408, %add3A_415, %add3A_422, %add3A_429, %add3A_436, %add3A_443, %add3A_450, %add3A_457 : vector<1024xf32>, vector<1024xf32>, vector<1024xf32>, vector<1024xf32>, vector<1024xf32>, vector<1024xf32>, vector<1024xf32>, vector<1024xf32>
    }
    %scan3A_244 = arith.constant 15 : i32
    %add3A_245 = arith.addf %scan3A_243#0, %scan3A_243#1 : vector<1024xf32>
    %add3A_246 = arith.addf %add3A_245, %scan3A_243#2 : vector<1024xf32>
    %add3A_247 = arith.addf %add3A_246, %scan3A_243#3 : vector<1024xf32>
    %add3A_248 = arith.addf %add3A_247, %scan3A_243#4 : vector<1024xf32>
    %add3A_249 = arith.addf %add3A_248, %scan3A_243#5 : vector<1024xf32>
    %add3A_250 = arith.addf %add3A_249, %scan3A_243#6 : vector<1024xf32>
    %add3A_251 = arith.addf %add3A_250, %scan3A_243#7 : vector<1024xf32>
    %dma_wait3A_252 = arith.constant 6 : i32
    %dma_wait3A_253 = tpu.memref_slice %arg3[%dma_wait3A_252] : memref<8x!tpu.dma_semaphore, #tpu.memory_space<semaphore_mem>> -> memref<1x!tpu.dma_semaphore, #tpu.memory_space<semaphore_mem>>
    %dma_wait3A_254 = tpu.memref_squeeze %dma_wait3A_253 : memref<1x!tpu.dma_semaphore, #tpu.memory_space<semaphore_mem>> -> memref<!tpu.dma_semaphore, #tpu.memory_space<semaphore_mem>>
    %dma_wait3A_255 = arith.constant 737280 : i32
    %dma_wait3A_256 = tpu.memref_slice %arg2[%dma_wait3A_255] : memref<1000000xf32, #tpu.memory_space<vmem>> -> memref<122880xf32, #tpu.memory_space<vmem>>
    %dma_wait3A_257 = arith.constant 737280 : i32
    %dma_wait3A_258 = tpu.memref_slice %arg0[%dma_wait3A_257] : memref<1000000xf32, #tpu.memory_space<any>> -> memref<122880xf32, #tpu.memory_space<any>>
    tpu.wait_dma2 semaphore(%dma_wait3A_254 : memref<!tpu.dma_semaphore, #tpu.memory_space<semaphore_mem>>) src(%dma_wait3A_258 : memref<122880xf32, #tpu.memory_space<any>>) dst(%dma_wait3A_256 : memref<122880xf32, #tpu.memory_space<vmem>>)
    %scan3A_259 = arith.constant 0 : i32
    %scan3A_260 = arith.constant 15 : i32
    %scan3A_261 = arith.addi %scan3A_259, %scan3A_260 : i32
    %scan3A_262 = arith.constant 1 : i32
    %scan3A_263:8 = scf.for %scan3A_389 = %scan3A_259 to %scan3A_261 step %scan3A_262 iter_args(%scan3A_390 = %broadcast_in_dim3A_55, %scan3A_391 = %broadcast_in_dim3A_55, %scan3A_392 = %broadcast_in_dim3A_55, %scan3A_393 = %broadcast_in_dim3A_55, %scan3A_394 = %broadcast_in_dim3A_55, %scan3A_395 = %broadcast_in_dim3A_55, %scan3A_396 = %broadcast_in_dim3A_55, %scan3A_397 = %broadcast_in_dim3A_55) -> (vector<1024xf32>, vector<1024xf32>, vector<1024xf32>, vector<1024xf32>, vector<1024xf32>, vector<1024xf32>, vector<1024xf32>, vector<1024xf32>)  : i32 {
      %mul3A_398 = arith.constant 8192 : i32
      %mul3A_399 = arith.muli %scan3A_389, %mul3A_398 : i32
      %add3A_400 = arith.constant 737280 : i32
      %add3A_401 = arith.addi %add3A_400, %mul3A_399 : i32
      %add3A_402 = arith.constant 0 : i32
      %add3A_403 = arith.addi %add3A_401, %add3A_402 : i32
      %get3A_404 = arith.index_cast %add3A_403 : i32 to index
      %get3A_405 = vector.load %arg2[%get3A_404] : memref<1000000xf32, #tpu.memory_space<vmem>>, vector<1024xf32>
      %max3A_406 = arith.maximumf %scan3A_390, %get3A_405 : vector<1024xf32>
      %add3A_407 = arith.constant 1024 : i32
      %add3A_408 = arith.addi %add3A_401, %add3A_407 : i32
      %get3A_409 = arith.index_cast %add3A_408 : i32 to index
      %get3A_410 = vector.load %arg2[%get3A_409] : memref<1000000xf32, #tpu.memory_space<vmem>>, vector<1024xf32>
      %max3A_411 = arith.maximumf %scan3A_391, %get3A_410 : vector<1024xf32>
      %add3A_412 = arith.constant 2048 : i32
      %add3A_413 = arith.addi %add3A_401, %add3A_412 : i32
      %get3A_414 = arith.index_cast %add3A_413 : i32 to index
      %get3A_415 = vector.load %arg2[%get3A_414] : memref<1000000xf32, #tpu.memory_space<vmem>>, vector<1024xf32>
      %max3A_416 = arith.maximumf %scan3A_392, %get3A_415 : vector<1024xf32>
      %add3A_417 = arith.constant 3072 : i32
      %add3A_418 = arith.addi %add3A_401, %add3A_417 : i32
      %get3A_419 = arith.index_cast %add3A_418 : i32 to index
      %get3A_420 = vector.load %arg2[%get3A_419] : memref<1000000xf32, #tpu.memory_space<vmem>>, vector<1024xf32>
      %max3A_421 = arith.maximumf %scan3A_393, %get3A_420 : vector<1024xf32>
      %add3A_422 = arith.constant 4096 : i32
      %add3A_423 = arith.addi %add3A_401, %add3A_422 : i32
      %get3A_424 = arith.index_cast %add3A_423 : i32 to index
      %get3A_425 = vector.load %arg2[%get3A_424] : memref<1000000xf32, #tpu.memory_space<vmem>>, vector<1024xf32>
      %max3A_426 = arith.maximumf %scan3A_394, %get3A_425 : vector<1024xf32>
      %add3A_427 = arith.constant 5120 : i32
      %add3A_428 = arith.addi %add3A_401, %add3A_427 : i32
      %get3A_429 = arith.index_cast %add3A_428 : i32 to index
      %get3A_430 = vector.load %arg2[%get3A_429] : memref<1000000xf32, #tpu.memory_space<vmem>>, vector<1024xf32>
      %max3A_431 = arith.maximumf %scan3A_395, %get3A_430 : vector<1024xf32>
      %add3A_432 = arith.constant 6144 : i32
      %add3A_433 = arith.addi %add3A_401, %add3A_432 : i32
      %get3A_434 = arith.index_cast %add3A_433 : i32 to index
      %get3A_435 = vector.load %arg2[%get3A_434] : memref<1000000xf32, #tpu.memory_space<vmem>>, vector<1024xf32>
      %max3A_436 = arith.maximumf %scan3A_396, %get3A_435 : vector<1024xf32>
      %add3A_437 = arith.constant 7168 : i32
      %add3A_438 = arith.addi %add3A_401, %add3A_437 : i32
      %get3A_439 = arith.index_cast %add3A_438 : i32 to index
      %get3A_440 = vector.load %arg2[%get3A_439] : memref<1000000xf32, #tpu.memory_space<vmem>>, vector<1024xf32>
      %max3A_441 = arith.maximumf %scan3A_397, %get3A_440 : vector<1024xf32>
      scf.yield %max3A_406, %max3A_411, %max3A_416, %max3A_421, %max3A_426, %max3A_431, %max3A_436, %max3A_441 : vector<1024xf32>, vector<1024xf32>, vector<1024xf32>, vector<1024xf32>, vector<1024xf32>, vector<1024xf32>, vector<1024xf32>, vector<1024xf32>
    }
    %scan3A_264 = arith.constant 15 : i32
    %max3A_265 = arith.maximumf %scan3A_263#0, %scan3A_263#1 : vector<1024xf32>
    %max3A_266 = arith.maximumf %max3A_265, %scan3A_263#2 : vector<1024xf32>
    %max3A_267 = arith.maximumf %max3A_266, %scan3A_263#3 : vector<1024xf32>
    %max3A_268 = arith.maximumf %max3A_267, %scan3A_263#4 : vector<1024xf32>
    %max3A_269 = arith.maximumf %max3A_268, %scan3A_263#5 : vector<1024xf32>
    %max3A_270 = arith.maximumf %max3A_269, %scan3A_263#6 : vector<1024xf32>
    %max3A_271 = arith.maximumf %max3A_270, %scan3A_263#7 : vector<1024xf32>
    %scan3A_272 = arith.constant 0 : i32
    %scan3A_273 = arith.constant 15 : i32
    %scan3A_274 = arith.addi %scan3A_272, %scan3A_273 : i32
    %scan3A_275 = arith.constant 1 : i32
    %scan3A_276:8 = scf.for %scan3A_389 = %scan3A_272 to %scan3A_274 step %scan3A_275 iter_args(%scan3A_390 = %broadcast_in_dim3A_57, %scan3A_391 = %broadcast_in_dim3A_57, %scan3A_392 = %broadcast_in_dim3A_57, %scan3A_393 = %broadcast_in_dim3A_57, %scan3A_394 = %broadcast_in_dim3A_57, %scan3A_395 = %broadcast_in_dim3A_57, %scan3A_396 = %broadcast_in_dim3A_57, %scan3A_397 = %broadcast_in_dim3A_57) -> (vector<1024xf32>, vector<1024xf32>, vector<1024xf32>, vector<1024xf32>, vector<1024xf32>, vector<1024xf32>, vector<1024xf32>, vector<1024xf32>)  : i32 {
      %mul3A_398 = arith.constant 8192 : i32
      %mul3A_399 = arith.muli %scan3A_389, %mul3A_398 : i32
      %add3A_400 = arith.constant 737280 : i32
      %add3A_401 = arith.addi %add3A_400, %mul3A_399 : i32
      %add3A_402 = arith.constant 0 : i32
      %add3A_403 = arith.addi %add3A_401, %add3A_402 : i32
      %get3A_404 = arith.index_cast %add3A_403 : i32 to index
      %get3A_405 = vector.load %arg2[%get3A_404] : memref<1000000xf32, #tpu.memory_space<vmem>>, vector<1024xf32>
      %sub3A_406 = arith.subf %get3A_405, %max3A_271 : vector<1024xf32>
      %exp3A_407 = math.exp %sub3A_406 : vector<1024xf32>
      %add3A_408 = arith.addf %scan3A_390, %exp3A_407 : vector<1024xf32>
      %add3A_409 = arith.constant 1024 : i32
      %add3A_410 = arith.addi %add3A_401, %add3A_409 : i32
      %get3A_411 = arith.index_cast %add3A_410 : i32 to index
      %get3A_412 = vector.load %arg2[%get3A_411] : memref<1000000xf32, #tpu.memory_space<vmem>>, vector<1024xf32>
      %sub3A_413 = arith.subf %get3A_412, %max3A_271 : vector<1024xf32>
      %exp3A_414 = math.exp %sub3A_413 : vector<1024xf32>
      %add3A_415 = arith.addf %scan3A_391, %exp3A_414 : vector<1024xf32>
      %add3A_416 = arith.constant 2048 : i32
      %add3A_417 = arith.addi %add3A_401, %add3A_416 : i32
      %get3A_418 = arith.index_cast %add3A_417 : i32 to index
      %get3A_419 = vector.load %arg2[%get3A_418] : memref<1000000xf32, #tpu.memory_space<vmem>>, vector<1024xf32>
      %sub3A_420 = arith.subf %get3A_419, %max3A_271 : vector<1024xf32>
      %exp3A_421 = math.exp %sub3A_420 : vector<1024xf32>
      %add3A_422 = arith.addf %scan3A_392, %exp3A_421 : vector<1024xf32>
      %add3A_423 = arith.constant 3072 : i32
      %add3A_424 = arith.addi %add3A_401, %add3A_423 : i32
      %get3A_425 = arith.index_cast %add3A_424 : i32 to index
      %get3A_426 = vector.load %arg2[%get3A_425] : memref<1000000xf32, #tpu.memory_space<vmem>>, vector<1024xf32>
      %sub3A_427 = arith.subf %get3A_426, %max3A_271 : vector<1024xf32>
      %exp3A_428 = math.exp %sub3A_427 : vector<1024xf32>
      %add3A_429 = arith.addf %scan3A_393, %exp3A_428 : vector<1024xf32>
      %add3A_430 = arith.constant 4096 : i32
      %add3A_431 = arith.addi %add3A_401, %add3A_430 : i32
      %get3A_432 = arith.index_cast %add3A_431 : i32 to index
      %get3A_433 = vector.load %arg2[%get3A_432] : memref<1000000xf32, #tpu.memory_space<vmem>>, vector<1024xf32>
      %sub3A_434 = arith.subf %get3A_433, %max3A_271 : vector<1024xf32>
      %exp3A_435 = math.exp %sub3A_434 : vector<1024xf32>
      %add3A_436 = arith.addf %scan3A_394, %exp3A_435 : vector<1024xf32>
      %add3A_437 = arith.constant 5120 : i32
      %add3A_438 = arith.addi %add3A_401, %add3A_437 : i32
      %get3A_439 = arith.index_cast %add3A_438 : i32 to index
      %get3A_440 = vector.load %arg2[%get3A_439] : memref<1000000xf32, #tpu.memory_space<vmem>>, vector<1024xf32>
      %sub3A_441 = arith.subf %get3A_440, %max3A_271 : vector<1024xf32>
      %exp3A_442 = math.exp %sub3A_441 : vector<1024xf32>
      %add3A_443 = arith.addf %scan3A_395, %exp3A_442 : vector<1024xf32>
      %add3A_444 = arith.constant 6144 : i32
      %add3A_445 = arith.addi %add3A_401, %add3A_444 : i32
      %get3A_446 = arith.index_cast %add3A_445 : i32 to index
      %get3A_447 = vector.load %arg2[%get3A_446] : memref<1000000xf32, #tpu.memory_space<vmem>>, vector<1024xf32>
      %sub3A_448 = arith.subf %get3A_447, %max3A_271 : vector<1024xf32>
      %exp3A_449 = math.exp %sub3A_448 : vector<1024xf32>
      %add3A_450 = arith.addf %scan3A_396, %exp3A_449 : vector<1024xf32>
      %add3A_451 = arith.constant 7168 : i32
      %add3A_452 = arith.addi %add3A_401, %add3A_451 : i32
      %get3A_453 = arith.index_cast %add3A_452 : i32 to index
      %get3A_454 = vector.load %arg2[%get3A_453] : memref<1000000xf32, #tpu.memory_space<vmem>>, vector<1024xf32>
      %sub3A_455 = arith.subf %get3A_454, %max3A_271 : vector<1024xf32>
      %exp3A_456 = math.exp %sub3A_455 : vector<1024xf32>
      %add3A_457 = arith.addf %scan3A_397, %exp3A_456 : vector<1024xf32>
      scf.yield %add3A_408, %add3A_415, %add3A_422, %add3A_429, %add3A_436, %add3A_443, %add3A_450, %add3A_457 : vector<1024xf32>, vector<1024xf32>, vector<1024xf32>, vector<1024xf32>, vector<1024xf32>, vector<1024xf32>, vector<1024xf32>, vector<1024xf32>
    }
    %scan3A_277 = arith.constant 15 : i32
    %add3A_278 = arith.addf %scan3A_276#0, %scan3A_276#1 : vector<1024xf32>
    %add3A_279 = arith.addf %add3A_278, %scan3A_276#2 : vector<1024xf32>
    %add3A_280 = arith.addf %add3A_279, %scan3A_276#3 : vector<1024xf32>
    %add3A_281 = arith.addf %add3A_280, %scan3A_276#4 : vector<1024xf32>
    %add3A_282 = arith.addf %add3A_281, %scan3A_276#5 : vector<1024xf32>
    %add3A_283 = arith.addf %add3A_282, %scan3A_276#6 : vector<1024xf32>
    %add3A_284 = arith.addf %add3A_283, %scan3A_276#7 : vector<1024xf32>
    %dma_wait3A_285 = arith.constant 7 : i32
    %dma_wait3A_286 = tpu.memref_slice %arg3[%dma_wait3A_285] : memref<8x!tpu.dma_semaphore, #tpu.memory_space<semaphore_mem>> -> memref<1x!tpu.dma_semaphore, #tpu.memory_space<semaphore_mem>>
    %dma_wait3A_287 = tpu.memref_squeeze %dma_wait3A_286 : memref<1x!tpu.dma_semaphore, #tpu.memory_space<semaphore_mem>> -> memref<!tpu.dma_semaphore, #tpu.memory_space<semaphore_mem>>
    %dma_wait3A_288 = arith.constant 860160 : i32
    %dma_wait3A_289 = tpu.memref_slice %arg2[%dma_wait3A_288] : memref<1000000xf32, #tpu.memory_space<vmem>> -> memref<139840xf32, #tpu.memory_space<vmem>>
    %dma_wait3A_290 = arith.constant 860160 : i32
    %dma_wait3A_291 = tpu.memref_slice %arg0[%dma_wait3A_290] : memref<1000000xf32, #tpu.memory_space<any>> -> memref<139840xf32, #tpu.memory_space<any>>
    tpu.wait_dma2 semaphore(%dma_wait3A_287 : memref<!tpu.dma_semaphore, #tpu.memory_space<semaphore_mem>>) src(%dma_wait3A_291 : memref<139840xf32, #tpu.memory_space<any>>) dst(%dma_wait3A_289 : memref<139840xf32, #tpu.memory_space<vmem>>)
    %scan3A_292 = arith.constant 0 : i32
    %scan3A_293 = arith.constant 15 : i32
    %scan3A_294 = arith.addi %scan3A_292, %scan3A_293 : i32
    %scan3A_295 = arith.constant 1 : i32
    %scan3A_296:8 = scf.for %scan3A_389 = %scan3A_292 to %scan3A_294 step %scan3A_295 iter_args(%scan3A_390 = %broadcast_in_dim3A_55, %scan3A_391 = %broadcast_in_dim3A_55, %scan3A_392 = %broadcast_in_dim3A_55, %scan3A_393 = %broadcast_in_dim3A_55, %scan3A_394 = %broadcast_in_dim3A_55, %scan3A_395 = %broadcast_in_dim3A_55, %scan3A_396 = %broadcast_in_dim3A_55, %scan3A_397 = %broadcast_in_dim3A_55) -> (vector<1024xf32>, vector<1024xf32>, vector<1024xf32>, vector<1024xf32>, vector<1024xf32>, vector<1024xf32>, vector<1024xf32>, vector<1024xf32>)  : i32 {
      %mul3A_398 = arith.constant 8192 : i32
      %mul3A_399 = arith.muli %scan3A_389, %mul3A_398 : i32
      %add3A_400 = arith.constant 860160 : i32
      %add3A_401 = arith.addi %add3A_400, %mul3A_399 : i32
      %add3A_402 = arith.constant 0 : i32
      %add3A_403 = arith.addi %add3A_401, %add3A_402 : i32
      %get3A_404 = arith.index_cast %add3A_403 : i32 to index
      %get3A_405 = vector.load %arg2[%get3A_404] : memref<1000000xf32, #tpu.memory_space<vmem>>, vector<1024xf32>
      %max3A_406 = arith.maximumf %scan3A_390, %get3A_405 : vector<1024xf32>
      %add3A_407 = arith.constant 1024 : i32
      %add3A_408 = arith.addi %add3A_401, %add3A_407 : i32
      %get3A_409 = arith.index_cast %add3A_408 : i32 to index
      %get3A_410 = vector.load %arg2[%get3A_409] : memref<1000000xf32, #tpu.memory_space<vmem>>, vector<1024xf32>
      %max3A_411 = arith.maximumf %scan3A_391, %get3A_410 : vector<1024xf32>
      %add3A_412 = arith.constant 2048 : i32
      %add3A_413 = arith.addi %add3A_401, %add3A_412 : i32
      %get3A_414 = arith.index_cast %add3A_413 : i32 to index
      %get3A_415 = vector.load %arg2[%get3A_414] : memref<1000000xf32, #tpu.memory_space<vmem>>, vector<1024xf32>
      %max3A_416 = arith.maximumf %scan3A_392, %get3A_415 : vector<1024xf32>
      %add3A_417 = arith.constant 3072 : i32
      %add3A_418 = arith.addi %add3A_401, %add3A_417 : i32
      %get3A_419 = arith.index_cast %add3A_418 : i32 to index
      %get3A_420 = vector.load %arg2[%get3A_419] : memref<1000000xf32, #tpu.memory_space<vmem>>, vector<1024xf32>
      %max3A_421 = arith.maximumf %scan3A_393, %get3A_420 : vector<1024xf32>
      %add3A_422 = arith.constant 4096 : i32
      %add3A_423 = arith.addi %add3A_401, %add3A_422 : i32
      %get3A_424 = arith.index_cast %add3A_423 : i32 to index
      %get3A_425 = vector.load %arg2[%get3A_424] : memref<1000000xf32, #tpu.memory_space<vmem>>, vector<1024xf32>
      %max3A_426 = arith.maximumf %scan3A_394, %get3A_425 : vector<1024xf32>
      %add3A_427 = arith.constant 5120 : i32
      %add3A_428 = arith.addi %add3A_401, %add3A_427 : i32
      %get3A_429 = arith.index_cast %add3A_428 : i32 to index
      %get3A_430 = vector.load %arg2[%get3A_429] : memref<1000000xf32, #tpu.memory_space<vmem>>, vector<1024xf32>
      %max3A_431 = arith.maximumf %scan3A_395, %get3A_430 : vector<1024xf32>
      %add3A_432 = arith.constant 6144 : i32
      %add3A_433 = arith.addi %add3A_401, %add3A_432 : i32
      %get3A_434 = arith.index_cast %add3A_433 : i32 to index
      %get3A_435 = vector.load %arg2[%get3A_434] : memref<1000000xf32, #tpu.memory_space<vmem>>, vector<1024xf32>
      %max3A_436 = arith.maximumf %scan3A_396, %get3A_435 : vector<1024xf32>
      %add3A_437 = arith.constant 7168 : i32
      %add3A_438 = arith.addi %add3A_401, %add3A_437 : i32
      %get3A_439 = arith.index_cast %add3A_438 : i32 to index
      %get3A_440 = vector.load %arg2[%get3A_439] : memref<1000000xf32, #tpu.memory_space<vmem>>, vector<1024xf32>
      %max3A_441 = arith.maximumf %scan3A_397, %get3A_440 : vector<1024xf32>
      scf.yield %max3A_406, %max3A_411, %max3A_416, %max3A_421, %max3A_426, %max3A_431, %max3A_436, %max3A_441 : vector<1024xf32>, vector<1024xf32>, vector<1024xf32>, vector<1024xf32>, vector<1024xf32>, vector<1024xf32>, vector<1024xf32>, vector<1024xf32>
    }
    %scan3A_297 = arith.constant 15 : i32
    %max3A_298 = arith.maximumf %scan3A_296#0, %scan3A_296#1 : vector<1024xf32>
    %max3A_299 = arith.maximumf %max3A_298, %scan3A_296#2 : vector<1024xf32>
    %max3A_300 = arith.maximumf %max3A_299, %scan3A_296#3 : vector<1024xf32>
    %max3A_301 = arith.maximumf %max3A_300, %scan3A_296#4 : vector<1024xf32>
    %max3A_302 = arith.maximumf %max3A_301, %scan3A_296#5 : vector<1024xf32>
    %max3A_303 = arith.maximumf %max3A_302, %scan3A_296#6 : vector<1024xf32>
    %max3A_304 = arith.maximumf %max3A_303, %scan3A_296#7 : vector<1024xf32>
    %scan3A_305 = arith.constant 0 : i32
    %scan3A_306 = arith.constant 15 : i32
    %scan3A_307 = arith.addi %scan3A_305, %scan3A_306 : i32
    %scan3A_308 = arith.constant 1 : i32
    %scan3A_309:8 = scf.for %scan3A_389 = %scan3A_305 to %scan3A_307 step %scan3A_308 iter_args(%scan3A_390 = %broadcast_in_dim3A_57, %scan3A_391 = %broadcast_in_dim3A_57, %scan3A_392 = %broadcast_in_dim3A_57, %scan3A_393 = %broadcast_in_dim3A_57, %scan3A_394 = %broadcast_in_dim3A_57, %scan3A_395 = %broadcast_in_dim3A_57, %scan3A_396 = %broadcast_in_dim3A_57, %scan3A_397 = %broadcast_in_dim3A_57) -> (vector<1024xf32>, vector<1024xf32>, vector<1024xf32>, vector<1024xf32>, vector<1024xf32>, vector<1024xf32>, vector<1024xf32>, vector<1024xf32>)  : i32 {
      %mul3A_398 = arith.constant 8192 : i32
      %mul3A_399 = arith.muli %scan3A_389, %mul3A_398 : i32
      %add3A_400 = arith.constant 860160 : i32
      %add3A_401 = arith.addi %add3A_400, %mul3A_399 : i32
      %add3A_402 = arith.constant 0 : i32
      %add3A_403 = arith.addi %add3A_401, %add3A_402 : i32
      %get3A_404 = arith.index_cast %add3A_403 : i32 to index
      %get3A_405 = vector.load %arg2[%get3A_404] : memref<1000000xf32, #tpu.memory_space<vmem>>, vector<1024xf32>
      %sub3A_406 = arith.subf %get3A_405, %max3A_304 : vector<1024xf32>
      %exp3A_407 = math.exp %sub3A_406 : vector<1024xf32>
      %add3A_408 = arith.addf %scan3A_390, %exp3A_407 : vector<1024xf32>
      %add3A_409 = arith.constant 1024 : i32
      %add3A_410 = arith.addi %add3A_401, %add3A_409 : i32
      %get3A_411 = arith.index_cast %add3A_410 : i32 to index
      %get3A_412 = vector.load %arg2[%get3A_411] : memref<1000000xf32, #tpu.memory_space<vmem>>, vector<1024xf32>
      %sub3A_413 = arith.subf %get3A_412, %max3A_304 : vector<1024xf32>
      %exp3A_414 = math.exp %sub3A_413 : vector<1024xf32>
      %add3A_415 = arith.addf %scan3A_391, %exp3A_414 : vector<1024xf32>
      %add3A_416 = arith.constant 2048 : i32
      %add3A_417 = arith.addi %add3A_401, %add3A_416 : i32
      %get3A_418 = arith.index_cast %add3A_417 : i32 to index
      %get3A_419 = vector.load %arg2[%get3A_418] : memref<1000000xf32, #tpu.memory_space<vmem>>, vector<1024xf32>
      %sub3A_420 = arith.subf %get3A_419, %max3A_304 : vector<1024xf32>
      %exp3A_421 = math.exp %sub3A_420 : vector<1024xf32>
      %add3A_422 = arith.addf %scan3A_392, %exp3A_421 : vector<1024xf32>
      %add3A_423 = arith.constant 3072 : i32
      %add3A_424 = arith.addi %add3A_401, %add3A_423 : i32
      %get3A_425 = arith.index_cast %add3A_424 : i32 to index
      %get3A_426 = vector.load %arg2[%get3A_425] : memref<1000000xf32, #tpu.memory_space<vmem>>, vector<1024xf32>
      %sub3A_427 = arith.subf %get3A_426, %max3A_304 : vector<1024xf32>
      %exp3A_428 = math.exp %sub3A_427 : vector<1024xf32>
      %add3A_429 = arith.addf %scan3A_393, %exp3A_428 : vector<1024xf32>
      %add3A_430 = arith.constant 4096 : i32
      %add3A_431 = arith.addi %add3A_401, %add3A_430 : i32
      %get3A_432 = arith.index_cast %add3A_431 : i32 to index
      %get3A_433 = vector.load %arg2[%get3A_432] : memref<1000000xf32, #tpu.memory_space<vmem>>, vector<1024xf32>
      %sub3A_434 = arith.subf %get3A_433, %max3A_304 : vector<1024xf32>
      %exp3A_435 = math.exp %sub3A_434 : vector<1024xf32>
      %add3A_436 = arith.addf %scan3A_394, %exp3A_435 : vector<1024xf32>
      %add3A_437 = arith.constant 5120 : i32
      %add3A_438 = arith.addi %add3A_401, %add3A_437 : i32
      %get3A_439 = arith.index_cast %add3A_438 : i32 to index
      %get3A_440 = vector.load %arg2[%get3A_439] : memref<1000000xf32, #tpu.memory_space<vmem>>, vector<1024xf32>
      %sub3A_441 = arith.subf %get3A_440, %max3A_304 : vector<1024xf32>
      %exp3A_442 = math.exp %sub3A_441 : vector<1024xf32>
      %add3A_443 = arith.addf %scan3A_395, %exp3A_442 : vector<1024xf32>
      %add3A_444 = arith.constant 6144 : i32
      %add3A_445 = arith.addi %add3A_401, %add3A_444 : i32
      %get3A_446 = arith.index_cast %add3A_445 : i32 to index
      %get3A_447 = vector.load %arg2[%get3A_446] : memref<1000000xf32, #tpu.memory_space<vmem>>, vector<1024xf32>
      %sub3A_448 = arith.subf %get3A_447, %max3A_304 : vector<1024xf32>
      %exp3A_449 = math.exp %sub3A_448 : vector<1024xf32>
      %add3A_450 = arith.addf %scan3A_396, %exp3A_449 : vector<1024xf32>
      %add3A_451 = arith.constant 7168 : i32
      %add3A_452 = arith.addi %add3A_401, %add3A_451 : i32
      %get3A_453 = arith.index_cast %add3A_452 : i32 to index
      %get3A_454 = vector.load %arg2[%get3A_453] : memref<1000000xf32, #tpu.memory_space<vmem>>, vector<1024xf32>
      %sub3A_455 = arith.subf %get3A_454, %max3A_304 : vector<1024xf32>
      %exp3A_456 = math.exp %sub3A_455 : vector<1024xf32>
      %add3A_457 = arith.addf %scan3A_397, %exp3A_456 : vector<1024xf32>
      scf.yield %add3A_408, %add3A_415, %add3A_422, %add3A_429, %add3A_436, %add3A_443, %add3A_450, %add3A_457 : vector<1024xf32>, vector<1024xf32>, vector<1024xf32>, vector<1024xf32>, vector<1024xf32>, vector<1024xf32>, vector<1024xf32>, vector<1024xf32>
    }
    %scan3A_310 = arith.constant 15 : i32
    %add3A_311 = arith.addf %scan3A_309#0, %scan3A_309#1 : vector<1024xf32>
    %add3A_312 = arith.addf %add3A_311, %scan3A_309#2 : vector<1024xf32>
    %add3A_313 = arith.addf %add3A_312, %scan3A_309#3 : vector<1024xf32>
    %add3A_314 = arith.addf %add3A_313, %scan3A_309#4 : vector<1024xf32>
    %add3A_315 = arith.addf %add3A_314, %scan3A_309#5 : vector<1024xf32>
    %add3A_316 = arith.addf %add3A_315, %scan3A_309#6 : vector<1024xf32>
    %add3A_317 = arith.addf %add3A_316, %scan3A_309#7 : vector<1024xf32>
    %get3A = arith.constant 983040 : index
    %get3A_318 = vector.load %arg2[%get3A] : memref<1000000xf32, #tpu.memory_space<vmem>>, vector<16960xf32>
    %max3A_319 = arith.maximumf %max3A_74, %max3A_106 : vector<1024xf32>
    %max3A_320 = arith.maximumf %max3A_319, %max3A_139 : vector<1024xf32>
    %max3A_321 = arith.maximumf %max3A_320, %max3A_172 : vector<1024xf32>
    %max3A_322 = arith.maximumf %max3A_321, %max3A_205 : vector<1024xf32>
    %max3A_323 = arith.maximumf %max3A_322, %max3A_238 : vector<1024xf32>
    %max3A_324 = arith.maximumf %max3A_323, %max3A_271 : vector<1024xf32>
    %max3A_325 = arith.maximumf %max3A_324, %max3A_304 : vector<1024xf32>
    %reduce_max3A = vector.shape_cast %max3A_325 : vector<1024xf32> to vector<1x1024xf32>
    %reduce_max3A_326 = arith.constant dense<0xFF800000> : vector<1xf32>
    %reduce_max3A_327 = vector.multi_reduction <maximumf>, %reduce_max3A, %reduce_max3A_326 [1] : vector<1x1024xf32> to vector<1xf32>
    %reduce_max3A_328 = vector.shape_cast %reduce_max3A_327 : vector<1xf32> to vector<1x1xf32>
    %reduce_max3A_329 = vector.extract %reduce_max3A_328[0, 0] : f32 from vector<1x1xf32>
    %reduce_max3A_330 = vector.shape_cast %get3A_318 : vector<16960xf32> to vector<1x16960xf32>
    %reduce_max3A_331 = arith.constant dense<0xFF800000> : vector<1xf32>
    %reduce_max3A_332 = vector.multi_reduction <maximumf>, %reduce_max3A_330, %reduce_max3A_331 [1] : vector<1x16960xf32> to vector<1xf32>
    %reduce_max3A_333 = vector.shape_cast %reduce_max3A_332 : vector<1xf32> to vector<1x1xf32>
    %reduce_max3A_334 = vector.extract %reduce_max3A_333[0, 0] : f32 from vector<1x1xf32>
    %max3A_335 = arith.maximumf %reduce_max3A_329, %reduce_max3A_334 : f32
    %sub3A = vector.broadcast %max3A_335 : f32 to vector<1024xf32>
    %sub3A_336 = arith.subf %max3A_74, %sub3A : vector<1024xf32>
    %exp3A = math.exp %sub3A_336 : vector<1024xf32>
    %mul3A = arith.mulf %add3A_86, %exp3A : vector<1024xf32>
    %add3A_337 = arith.addf %broadcast_in_dim3A_57, %mul3A : vector<1024xf32>
    %sub3A_338 = vector.broadcast %max3A_335 : f32 to vector<1024xf32>
    %sub3A_339 = arith.subf %max3A_106, %sub3A_338 : vector<1024xf32>
    %exp3A_340 = math.exp %sub3A_339 : vector<1024xf32>
    %mul3A_341 = arith.mulf %add3A_119, %exp3A_340 : vector<1024xf32>
    %add3A_342 = arith.addf %add3A_337, %mul3A_341 : vector<1024xf32>
    %sub3A_343 = vector.broadcast %max3A_335 : f32 to vector<1024xf32>
    %sub3A_344 = arith.subf %max3A_139, %sub3A_343 : vector<1024xf32>
    %exp3A_345 = math.exp %sub3A_344 : vector<1024xf32>
    %mul3A_346 = arith.mulf %add3A_152, %exp3A_345 : vector<1024xf32>
    %add3A_347 = arith.addf %add3A_342, %mul3A_346 : vector<1024xf32>
    %sub3A_348 = vector.broadcast %max3A_335 : f32 to vector<1024xf32>
    %sub3A_349 = arith.subf %max3A_172, %sub3A_348 : vector<1024xf32>
    %exp3A_350 = math.exp %sub3A_349 : vector<1024xf32>
    %mul3A_351 = arith.mulf %add3A_185, %exp3A_350 : vector<1024xf32>
    %add3A_352 = arith.addf %add3A_347, %mul3A_351 : vector<1024xf32>
    %sub3A_353 = vector.broadcast %max3A_335 : f32 to vector<1024xf32>
    %sub3A_354 = arith.subf %max3A_205, %sub3A_353 : vector<1024xf32>
    %exp3A_355 = math.exp %sub3A_354 : vector<1024xf32>
    %mul3A_356 = arith.mulf %add3A_218, %exp3A_355 : vector<1024xf32>
    %add3A_357 = arith.addf %add3A_352, %mul3A_356 : vector<1024xf32>
    %sub3A_358 = vector.broadcast %max3A_335 : f32 to vector<1024xf32>
    %sub3A_359 = arith.subf %max3A_238, %sub3A_358 : vector<1024xf32>
    %exp3A_360 = math.exp %sub3A_359 : vector<1024xf32>
    %mul3A_361 = arith.mulf %add3A_251, %exp3A_360 : vector<1024xf32>
    %add3A_362 = arith.addf %add3A_357, %mul3A_361 : vector<1024xf32>
    %sub3A_363 = vector.broadcast %max3A_335 : f32 to vector<1024xf32>
    %sub3A_364 = arith.subf %max3A_271, %sub3A_363 : vector<1024xf32>
    %exp3A_365 = math.exp %sub3A_364 : vector<1024xf32>
    %mul3A_366 = arith.mulf %add3A_284, %exp3A_365 : vector<1024xf32>
    %add3A_367 = arith.addf %add3A_362, %mul3A_366 : vector<1024xf32>
    %sub3A_368 = vector.broadcast %max3A_335 : f32 to vector<1024xf32>
    %sub3A_369 = arith.subf %max3A_304, %sub3A_368 : vector<1024xf32>
    %exp3A_370 = math.exp %sub3A_369 : vector<1024xf32>
    %mul3A_371 = arith.mulf %add3A_317, %exp3A_370 : vector<1024xf32>
    %add3A_372 = arith.addf %add3A_367, %mul3A_371 : vector<1024xf32>
    %reduce_sum3A = vector.shape_cast %add3A_372 : vector<1024xf32> to vector<1x1024xf32>
    %reduce_sum3A_373 = arith.constant dense<0.000000e+00> : vector<1xf32>
    %reduce_sum3A_374 = vector.multi_reduction <add>, %reduce_sum3A, %reduce_sum3A_373 [1] : vector<1x1024xf32> to vector<1xf32>
    %reduce_sum3A_375 = vector.shape_cast %reduce_sum3A_374 : vector<1xf32> to vector<1x1xf32>
    %reduce_sum3A_376 = vector.extract %reduce_sum3A_375[0, 0] : f32 from vector<1x1xf32>
    %sub3A_377 = vector.broadcast %max3A_335 : f32 to vector<16960xf32>
    %sub3A_378 = arith.subf %get3A_318, %sub3A_377 : vector<16960xf32>
    %exp3A_379 = math.exp %sub3A_378 : vector<16960xf32>
    %reduce_sum3A_380 = vector.shape_cast %exp3A_379 : vector<16960xf32> to vector<1x16960xf32>
    %reduce_sum3A_381 = arith.constant dense<0.000000e+00> : vector<1xf32>
    %reduce_sum3A_382 = vector.multi_reduction <add>, %reduce_sum3A_380, %reduce_sum3A_381 [1] : vector<1x16960xf32> to vector<1xf32>
    %reduce_sum3A_383 = vector.shape_cast %reduce_sum3A_382 : vector<1xf32> to vector<1x1xf32>
    %reduce_sum3A_384 = vector.extract %reduce_sum3A_383[0, 0] : f32 from vector<1x1xf32>
    %add3A_385 = arith.addf %reduce_sum3A_376, %reduce_sum3A_384 : f32
    %log3A = math.log %add3A_385 : f32
    %add3A_386 = arith.addf %max3A_335, %log3A : f32
    %broadcast_in_dim3A_387 = vector.broadcast %add3A_386 : f32 to vector<128xf32>
    %swap3A = arith.constant 0 : index
    %swap3A_388 = vector.load %arg1[%swap3A] : memref<128xf32, #tpu.memory_space<vmem>>, vector<128xf32>
    tpu.vector_store %arg1[%swap3A], %broadcast_in_dim3A_387 {strides = array<i32>} : memref<128xf32, #tpu.memory_space<vmem>>, vector<128xf32>,
    return
  }
}

</mosaic_0001>

<sc_bundles>
// kernel: kernel.4.cloned.1.call-start
scs
__scs_entry_jumppad:
0x0: {  	(pc) =	sbr.rel $0x88, $3  }
0x1: {  	(tag) =	ssettag $0x0;
	lr =	simm.s32 $0x1  }
0x2: {  	[smem:$0x3F9F] =	sst lr;
	_ =	strace $0xD0000000  }
0x3: {  	_ = 	snop  }
0x4: {  	_ = 	snop  }
0x5: {  	_ = 	snop  }
0x6: {  	_ = 	snop  }
0x7: {  	_ = 	snop  }
__scs_overlays_trampoline_lowered:
0x8: {  	[smem:$0x3FAE] =	sst s0  }
0x9: {  	[smem:$0x3FAF] =	sst s1  }
0xa: {  	[smem:$0x3FB0] =	sst s2  }
0xb: {  	[smem:$0x3FB1] =	sst s3  }
0xc: {  	[smem:$0x3FB2] =	sst s4  }
0xd: {  	[smem:$0x3FB3] =	sst s5  }
0xe: {  	[smem:$0x3FB4] =	sst s6  }
0xf: {  	[smem:$0x3FB5] =	sst s7  }
0x10: {  	[smem:$0x3FB6] =	sst s8  }
0x11: {  	[smem:$0x3FB7] =	sst s9;
	s0 =	simm.s32 @!p0 $0x0  }
0x12: {  	s1 =	sld [smem:$0x3F9D];
	s0 =	simm.s32 @p0 $0x1  }
0x13: {  	[smem:$0x3FB8] =	sst s0;
	s0 =	simm.s32 @!p1 $0x0  }
0x14: {  	s2 =	sld [smem:$0x3F9C];
	s0 =	simm.s32 @p1 $0x1  }
0x15: {  	[smem:$0x3FB9] =	sst s0;
	s0 =	simm.s32 @!p2 $0x0  }
0x16: {  	s3 =	sld [smem:$0x3FDB];
	s0 =	simm.s32 @p2 $0x1  }
0x17: {  	s4 =	simm.s32 $0x1BF5;
	[smem:$0x3FBB] =	sst s0  }
0x18: {  	s0 =	sld [smem:$0x3F9E];
	_ =	swait.ge [sflag:s4], $0x0  }
0x19: {  	s7 =	sld [smem:$0x3F9F]  }
0x1a: {  	s8 =	sadd.s32 $0xFFFFE003, lr  }
0x1b: {  	s9 =	sadd.s32 $0xFFFFFEF7, lr;
	s5 =	simm.s32 $0xFFFFFFFF;
	p2 =	slt.u32 s8, $0xFFFFF086  }
0x1c: {  	p1 =	slt.u32 s9, $0xF7A;
	s5 =	simm.s32 @!p2 $0x0  }
0x1d: {  	s5 =	simm.s32 @p1 $0x1;
	p0 =	seq.s32 s7, s2  }
0x1e: {  	s7 =	smul.u32 @!p0 $0xF7A, s2;
	p2 =	seq.s32 @!p0 s5, $0x0  }
0x1f: {  	s9 =	smul.u32 $0xF7A, s1;
	s8 =	simm.s32 @!p0 $0x1BF5;
	p2 =	por !p2, p0  }
0x20: {  	[sflag:s8] =	ssyncset.s32 @!p0 $0xFFFFF086;
	s6 =	sadd.s32 @!p0 s3, s7;
	s7 =	simm.s32 @!p0 $0x108  }
0x21: {  	s3 =	sadd.s32 s3, s9;
	s6 =	sadd.s32 @!p0 $0x88, s6;
	s7 =	simm.s32 @p2 $0x1082  }
0x22: {  	[simem:s7], [sflag:s8] =	dma.local @!p0 [hbm:s6], $0xF7A  }
0x23: {  	s9 =	sor.u32 $0xD0000000, s2;
	s6 =	simm.s32 $0x108;
	_ =	swait.ge @!p0 [sflag:s8], $0x0  }
0x24: {  	s3 =	sadd.s32 $0x88, s3;
	s6 =	simm.s32 @!p1 $0x1082;
	[sflag:s4] =	ssyncset.s32 $0xFFFFF086  }
0x25: {  	[simem:s6], [sflag:s4] =	dma.local [hbm:s3], $0xF7A  }
0x26: {  	[smem:$0x3F9F] =	sst s1;
	(tag) =	ssettag s2;
	_ =	strace s9  }
0x27: {  	s1 =	sld [smem:$0x3FAF]  }
0x28: {  	s2 =	sld [smem:$0x3FB0]  }
0x29: {  	s4 =	sld [smem:$0x3FB2]  }
0x2a: {  	p0 =	seq.s32 s5, $0x0;
	s5 =	sld [smem:$0x3FB3]  }
0x2b: {  	s6 =	sld [smem:$0x3FB4]  }
0x2c: {  	s7 =	sld [smem:$0x3FB5]  }
0x2d: {  	s3 =	simm.s32 $0x108;
	s8 =	sld [smem:$0x3FB6]  }
0x2e: {  	s3 =	simm.s32 @!p0 $0x1082;
	s9 =	sld [smem:$0x3FB7]  }
0x2f: {  	lr =	sadd.s32 s0, s3;
	s0 =	sld [smem:$0x3FAE]  }
0x30: {  	s3 =	sld [smem:$0x3FB1]  }
0x31: {  	[smem:$0x3FBA] =	sst s10  }
0x32: {  	s10 =	sld [smem:$0x3FB8];
	_ =	sdelay $0x3  }
0x33: {  	p0 =	seq.s32 s10, $0x1;
	s10 =	sld [smem:$0x3FBA];
	_ =	sdelay $0x3  }
0x34: {  	[smem:$0x3FBA] =	sst s10  }
0x35: {  	s10 =	sld [smem:$0x3FB9];
	_ =	sdelay $0x3  }
0x36: {  	p1 =	seq.s32 s10, $0x1;
	s10 =	sld [smem:$0x3FBA];
	_ =	sdelay $0x3  }
0x37: {  	[smem:$0x3FBA] =	sst s10  }
0x38: {  	s10 =	sld [smem:$0x3FBB]  }
0x39: {  	_ = 	snop;
	(pc) =	sbr.ind lr, $3  }
0x3a: {  	_ = 	snop  }
0x3b: {  	_ = 	snop  }
0x3c: {  	p2 =	seq.s32 s10, $0x1;
	s10 =	sld [smem:$0x3FBA]  }
0x3d: {  	_ =	shalt  }
0x3e: {  	_ =	shalt  }
0x3f: {  	_ =	shalt  }
0x40: {  	_ =	shalt  }
0x41: {  	_ =	shalt  }
0x42: {  	_ =	shalt  }
0x43: {  	_ =	shalt  }
0x44: {  	_ =	shalt  }
0x45: {  	_ =	shalt  }
0x46: {  	_ =	shalt  }
0x47: {  	_ =	shalt  }
0x48: {  	_ =	shalt  }
0x49: {  	_ =	shalt  }
0x4a: {  	_ =	shalt  }
0x4b: {  	_ =	shalt  }
0x4c: {  	_ =	shalt  }
0x4d: {  	_ =	shalt  }
0x4e: {  	_ =	shalt  }
0x4f: {  	_ =	shalt  }
0x50: {  	_ =	shalt  }
0x51: {  	_ =	shalt  }
0x52: {  	_ =	shalt  }
0x53: {  	_ =	shalt  }
0x54: {  	_ =	shalt  }
0x55: {  	_ =	shalt  }
0x56: {  	_ =	shalt  }
0x57: {  	_ =	shalt  }
0x58: {  	_ =	shalt  }
0x59: {  	_ =	shalt  }
0x5a: {  	_ =	shalt  }
0x5b: {  	_ =	shalt  }
0x5c: {  	_ =	shalt  }
0x5d: {  	_ =	shalt  }
0x5e: {  	_ =	shalt  }
0x5f: {  	_ =	shalt  }
0x60: {  	_ =	shalt  }
0x61: {  	_ =	shalt  }
0x62: {  	_ =	shalt  }
0x63: {  	_ =	shalt  }
0x64: {  	_ =	shalt  }
0x65: {  	_ =	shalt  }
0x66: {  	_ =	shalt  }
0x67: {  	_ =	shalt  }
0x68: {  	_ =	shalt  }
0x69: {  	_ =	shalt  }
0x6a: {  	_ =	shalt  }
0x6b: {  	_ =	shalt  }
0x6c: {  	_ =	shalt  }
0x6d: {  	_ =	shalt  }
0x6e: {  	_ =	shalt  }
0x6f: {  	_ =	shalt  }
0x70: {  	_ =	shalt  }
0x71: {  	_ =	shalt  }
0x72: {  	_ =	shalt  }
0x73: {  	_ =	shalt  }
0x74: {  	_ =	shalt  }
0x75: {  	_ =	shalt  }
0x76: {  	_ =	shalt  }
0x77: {  	_ =	shalt  }
0x78: {  	_ =	shalt  }
0x79: {  	_ =	shalt  }
0x7a: {  	_ =	shalt  }
0x7b: {  	_ =	shalt  }
0x7c: {  	_ =	shalt  }
0x7d: {  	_ =	shalt  }
0x7e: {  	_ =	shalt  }
0x7f: {  	_ =	shalt  }
0x80: {  	_ =	shalt  }
0x81: {  	_ =	shalt  }
0x82: {  	_ =	shalt  }
0x83: {  	_ =	shalt  }
0x84: {  	_ =	shalt  }
0x85: {  	_ =	shalt  }
0x86: {  	_ =	shalt  }
0x87: {  	_ =	shalt  }
.Lfunc_end0:
.L_simem_size_0:
called_computation_lowered:
.L_overlay_start_0:
0x88: {  	s0 =	sld [smem:$0x3FD9]  }
0x89: {  	s1 =	sld [smem:$0x3FFE];
	_ =	sdelay $0x3  }
0x8a: {  	s0 =	sadd.s32 s1, s0  }
0x8b: {  	[smem:$0x3FC6] =	sst s0  }
0x8c: {  	_ = 	snop  }
0x8d: {  	s0 =	sld [smem:$0x3FC9]  }
0x8e: {  	s17 =	sld [smem:$0x3FC8]  }
0x8f: {  	s2 =	sld [smem:$0x3FD0];
	(tm) =	ssettm $0x1  }
0x90: {  	s3 =	sld [smem:$0x3FFB];
	_ =	sdelay $0x3  }
0x91: {  	_ =	strace s3  }
0x92: {  	s3 =	sld [smem:$0x3FFC];
	_ =	sdelay $0x3  }
0x93: {  	_ =	strace s3  }
0x94: {  	s3 =	sld [smem:$0x3FFD];
	_ =	sdelay $0x3  }
0x95: {  	_ =	strace s3  }
0x96: {  	_ =	strace $0x8FFFFFFF  }
0x97: {  	s18 =	sld [smem:$0x3FDB];
	_ =	sdelay $0x1  }
0x98: {  	s4 =	simm.s32 $_scs_section_size  }
0x99: {  	s5 =	simm.s32 $_size__tile_overlayer_lowered;
	s6 =	simm.s32 $_tile_overlayer_lowered  }
0x9a: {  	s21 =	simm.s32 $0x1BFF;
	s20 =	sshll.u32 s6, $0x1;
	s3 =	sadd.s32 s4, s18  }
0x9b: {  	s7 =	simm.s32 $0x0;
	s19 =	sshll.u32 s5, $0x1;
	s5 =	sadd.s32 s20, s3  }
0x9c: {  	[timem:s7], [sflag:s21] =	dma.local [hbm:s5], s19  }
0x9d: {  	_ =	swait.ge [sflag:s21], s19  }
0x9e: {  	s4 =	ssub.s32 $0x0, s19;
	[sflag:s21] =	ssyncset.done $0x0  }
0x9f: {  	[sflag:s21] =	ssyncadd.s32 s4;
	_ =	sdelay $0x1  }
0xa0: {  	s22 =	simm.s32 $0x1B8B  }
0xa1: {  	_ =	swait.ge [sflag:s22], $0x1  }
0xa2: {  	[sflag:s22] =	ssyncset.done $0x0  }
0xa3: {  	s23 =	simm.s32 $0x1B8E;
	[sflag:s22] =	ssyncadd.s32 $0xFFFFFFFF  }
0xa4: {  	s24 =	simm.s32 $execute0_lowered;
	[smem:$0x3FD2] =	sst s23  }
0xa5: {  	s4 =	sshll.u32 s24, $0x1;
	_ =	strace $0x80000046;
	[dreg:$0x1] =	wrdreg $0xFFFFFFFF  }
0xa6: {  	s25 =	simm.s32 $_size_execute0_lowered;
	s3 =	sadd.s32 s3, s4;
	[dreg:$0x0] =	wrdreg $0x0  }
0xa7: {  	s4 =	sshll.u32 s25, $0x1;
	[dreg:$0x2] =	wrdreg s3  }
0xa8: {  	[dreg:$0x3] =	wrdreg s4  }
0xa9: {  	[dreg:$0x4] =	wrdreg $0xC0  }
0xaa: {  	_ =	task [dreg:s7], $0x5FFFF  }
0xab: {  	[dreg:$0x1] =	wrdreg $0xFFFFFFFF  }
0xac: {  	[dreg:$0x0] =	wrdreg $0x60  }
0xad: {  	[dreg:$0x2] =	wrdreg s0  }
0xae: {  	[dreg:$0x3] =	wrdreg s17  }
0xaf: {  	[dreg:$0x4] =	wrdreg s2  }
0xb0: {  	[dreg:$0x5] =	wrdreg $0x9  }
0xb1: {  	_ =	task.clear_ibuf [dreg:s7], $0x6FFFF;
	_ =	strace $0x90000046  }
0xb2: {  	s26 =	simm.s32 $0x9;
	_ =	strace $0x80000048  }
0xb3: {  	_ =	swait.ge [sflag:s26], $0x1  }
0xb4: {  	[sflag:s26] =	ssyncadd.s32 $0xFFFFFFFF  }
0xb5: {  	_ =	strace $0x90000048  }
0xb6: {  	_ =	sfence  }
0xb7: {  	s28 =	sld [smem:$0x0];
	_ =	sdelay $0x1  }
0xb8: {  	s29 =	srdreg.scid  }
0xb9: {  	s30 =	sshll.u32 s29, $0xD;
	s31 =	sshrl.u32 s29, $0x2  }
0xba: {  	s1 =	sand.u32 $0x1, s29;
	s2 =	sand.u32 $0x4000, s30;
	s0 =	sadd.s32 s31, s28  }
0xbb: {  	s1 =	sor.u32 s2, s1;
	s0 =	sshll.u32 s0, $0x11  }
0xbc: {  	s0 =	sor.u32 s0, s1  }
0xbd: {  	s0 =	sadd.s32 $0x8F2B, s0  }
0xbe: {  	[sflag:s0] =	ssyncadd.remote.s32 $0x1  }
0xbf: {  	_ =	sfence.sel $0xFFFF  }
0xc0: {  	[dreg:$0x0] =	wrdreg $0xFFFFFFFF;
	(pc) =	sbr.abs _section_cstart, $3  }
0xc1: {  	[dreg:$0x1] =	wrdreg $0xFFFFFFFF  }
0xc2: {  	_ =	task.clear_ibuf [dreg:s7], $0x2FFFF;
	_ =	strace $0x9FFFFFFF  }
0xc3: {  	(tm) =	ssettm $0x7FFFFFFF  }
tec
execute0_lowered:
.L_overlay_start_1:
0x0: {  	(tag) =	ssettag $0x1  }
0x1: {  	s0 =	rddreg [dreg:$0x0]  }
0x2: {  	s1 =	rddreg [dreg:$0x1];
	s3 =	stileid.u32  }
0x3: {  	s2 =	rddreg [dreg:$0x2];
	p0 =	sne.s32 s3, $0x0  }
0x4: {  	s4 =	rddreg [dreg:$0x3];
	_ =	strace $0x80000047;
	s3 =	simm.s32 @!p0 $0x0  }
0x5: {  	[tilespmem:s3], [sflag:$0x2] =	stream.linear.gather @!p0 [hbm4b:s1+s3], $0x80, $0x38;
	[tilespmem:$0x100] =	vst v63  }
0x6: {  	s1 =	simm.s32 @!p0 $0x2  }
0x7: {  	_ =	swait.ge @!p0 [sflag:s1], $0x80  }
0x8: {  	[sflag:s1] =	ssyncset.done @!p0 $0x0  }
0x9: {  	s5 =	simm.s32 @!p0 $0x80;
	[sflag:s1] =	ssyncadd.s32 @!p0 $0xFFFFFF80  }
0xa: {  	[tilespmem:s5], [sflag:$0x1] =	stream.indirect.gather @!p0 [hbm4b:s0+s5], $0x1, s3, s5, $0xb8;
	[tilespmem:$0x100] =	vst v63  }
0xb: {  	s0 =	simm.s32 @!p0 $0x1  }
0xc: {  	_ =	swait.ge @!p0 [sflag:s0], $0x80  }
0xd: {  	[sflag:s0] =	ssyncset.done @!p0 $0x0  }
0xe: {  	[sflag:s0] =	ssyncadd.s32 @!p0 $0xFFFFFF80  }
0xf: {  	[hbm4b:s2+s3] =	stream.linear.scatter @!p0 [tilespmem:s5], [sflag:$0x2], $0x80, $0x38;
	[tilespmem:$0x100] =	vst v63  }
0x10: {  	_ =	swait.ge @!p0 [sflag:s1], $0x80  }
0x11: {  	[sflag:s1] =	ssyncset.done @!p0 $0x0  }
0x12: {  	[sflag:s1] =	ssyncadd.s32 @!p0 $0xFFFFFF80  }
0x13: {  	_ =	sfence.sel $0x180000  }
0x14: {  	[bflag:$0x0] =	sbarrier.arrive $0xFFFF  }
0x15: {  	_ =	strace $0x90000047  }
0x16: {  	s0 =	sadd.s32 @!p0 $0x100000, s4;
	[bflag:$0x2] =	sbarrier.arrive $0xFFFF  }
0x17: {  	[sflag:s0] =	ssyncadd.tile.s32 @!p0 $0x1;
	_ =	shalt  }
.Lfunc_end2:
_tile_overlayer_lowered:
.L_overlay_start_2:
0x18: {  	(tag) =	ssettag $0x2  }
0x19: {  	s0 =	rddreg [dreg:$0x0];
	s2 =	stileid.u32  }
0x1a: {  	s1 =	rddreg [dreg:$0x1];
	p0 =	sne.s32 s2, $0x0  }
0x1b: {  	s3 =	rddreg [dreg:$0x2];
	[bflag:$0x3] =	sbarrier.arrive $0xFFFF;
	s2 =	simm.s32 @!p0 $0x1C02  }
0x1c: {  	[timem:s3], [sflag:s2] =	dma.local @!p0 [hbm:s0], s1  }
0x1d: {  	s0 =	simm.s32 @!p0 $0x2  }
0x1e: {  	_ =	swait.ge @!p0 [sflag:s0], s1  }
0x1f: {  	s1 =	ssub.s32 @!p0 $0x0, s1;
	[sflag:s0] =	ssyncset.done @!p0 $0x0  }
0x20: {  	[sflag:s0] =	ssyncadd.s32 @!p0 s1  }
0x21: {  	[bflag:$0x3] =	sbarrier.arrive $0xFFFF  }
0x22: {  	_ =	shalt  }

</sc_bundles>
